<compile_context>
chip_gen: v7x
topology: tpu7x:2x2x1
jax: 0.10.2.dev20260603
libtpu: 0.0.44.dev20260713+nightly
codegen_flags: <defaults>
</compile_context>

<pallas_src>
import functools

import jax
import jax.numpy as jnp
from jax import lax
from jax.experimental import pallas as pl
from jax.experimental.pallas import tpu as pltpu
from jax.experimental.pallas import tpu_sc as plsc

N_ATOMS = 2097152
N_GRAPHS = 16384
N_ELEM = 119

NC = 2
NS = 16
NW = NC * NS
CHUNK = N_ATOMS // NW
BLK = 8192
NBLK = CHUNK // BLK
VECS = BLK // 16


def _sc_partials(an, b, table):
    mesh = plsc.VectorSubcoreMesh(
        core_axis_name="c", subcore_axis_name="s",
        num_cores=NC, num_subcores=NS)

    @functools.partial(
        pl.kernel,
        out_type=jax.ShapeDtypeStruct((NW, N_GRAPHS), jnp.float32),
        mesh=mesh,
        compiler_params=pltpu.CompilerParams(needs_layout_passes=False),
        scratch_types=[
            pltpu.VMEM((N_ELEM,), jnp.float32),
            pltpu.VMEM((BLK,), jnp.int32),
            pltpu.VMEM((BLK,), jnp.int32),
            pltpu.VMEM((BLK + 16,), jnp.int32),
            pltpu.VMEM((BLK + 16,), jnp.int32),
            pltpu.VMEM((N_GRAPHS,), jnp.float32),
            pltpu.SemaphoreType.DMA,
            pltpu.SemaphoreType.DMA,
        ],
    )
    def k(an_hbm, b_hbm, table_hbm, out_hbm,
          table_v, an_v0, an_v1, b_v0, b_v1, acc, sem0, sem1):
        wid = lax.axis_index("s") * NC + lax.axis_index("c")
        base_atom = wid * CHUNK
        sems = (sem0, sem1)
        an_bufs = (an_v0, an_v1)
        b_bufs = (b_v0, b_v1)

        pltpu.sync_copy(table_hbm, table_v)

        def start(j):
            buf = j % 2
            off = base_atom + j * BLK
            sem = sems[buf]
            d0 = pltpu.async_copy(
                an_hbm.at[pl.ds(off, BLK)], an_bufs[buf], sem)
            d1 = pltpu.async_copy(
                b_hbm.at[pl.ds(off, BLK)], b_bufs[buf].at[pl.ds(8, BLK)], sem)
            return (d0, d1)

        descs = start(0)

        zeros16 = jnp.zeros((16,), jnp.float32)

        @plsc.parallel_loop(0, N_GRAPHS // 16, unroll=8)
        def _(i):
            acc[pl.ds(i * 16, 16)] = zeros16

        lane = lax.iota(jnp.int32, 16)
        last_lane = lane == 15

        def run_block(buf):
            an_v = an_bufs[buf]
            b_v = b_bufs[buf]

            @plsc.parallel_loop(0, VECS, unroll=8)
            def _(i):
                base = i * 16
                an_vec = an_v[pl.ds(base, 16)]
                v = plsc.load_gather(table_v, [an_vec])
                c = plsc.cumsum(v)
                bm = b_v[pl.ds(8 + base, 16)]
                bn = b_v[pl.ds(9 + base, 16)]
                is_brk = bm != bn
                m_end = is_brk | last_lane
                m_inner = is_brk & jnp.logical_not(last_lane)
                plsc.addupdate_scatter(acc, [bm], c, mask=m_end)
                plsc.addupdate_scatter(acc, [bn], -c, mask=m_inner)

        for j in range(NBLK):
            nxt = start(j + 1) if j + 1 < NBLK else None
            descs[0].wait()
            descs[1].wait()
            run_block(j % 2)
            descs = nxt

        pltpu.sync_copy(acc, out_hbm.at[wid])

    return k(an, b, table)


def _tc_combine(target2d, partials3d):
    def body(t_ref, p_ref, o_ref):
        o_ref[...] = t_ref[...] + jnp.sum(p_ref[...], axis=0)

    return pl.pallas_call(
        body,
        out_shape=jax.ShapeDtypeStruct((128, 128), jnp.float32),
    )(target2d, partials3d)


def kernel(target, atomic_numbers, batch, element_references):
    an = atomic_numbers.astype(jnp.int32)
    b = batch.astype(jnp.int32)
    table = element_references.astype(jnp.float32)
    partials = _sc_partials(an, b, table)
    out2d = _tc_combine(target.reshape(128, 128),
                        partials.reshape(NW, 128, 128))
    return out2d.reshape(N_GRAPHS, 1)

# --- scband reference (transcript-rebuilt; emitter-appended) ---
"""Pipeline reference for scband-linear-references-19971597926559 (READ-ONLY COPY).

The authoritative reference and input builder live on the scoring server;
editing this copy changes nothing except your own understanding.
"""

import jax, jax.numpy as jnp
import numpy as np

N_ATOMS = 2097152
N_GRAPHS = 16384
MAX_NUM_ELEMENTS = 118


def setup_inputs(seed: int = 0) -> dict:
    key = jax.random.key(seed)
    k1, k2, k3, k4 = jax.random.split(key, 4)
    target = jax.random.normal(k1, (N_GRAPHS, 1), dtype=jnp.float32)
    atomic_numbers = jax.random.randint(k2, (N_ATOMS,), 0, MAX_NUM_ELEMENTS + 1, dtype=jnp.int64)
    batch = jnp.sort(jax.random.randint(k3, (N_ATOMS,), 0, N_GRAPHS, dtype=jnp.int64))
    # learned/registered buffer: element_references of shape [max_num_elements + 1]
    element_references = jax.random.normal(k4, (MAX_NUM_ELEMENTS + 1,), dtype=jnp.float32)
    return {
        "target": target,
        "atomic_numbers": atomic_numbers,
        "batch": batch,
        "element_references": element_references,
    }


def reference(target, atomic_numbers, batch, element_references):
    # forward = _apply_refs(target, batch, sign=+1, reshaped=True)
    indices = atomic_numbers.astype(jnp.int32)
    # gather: elemrefs = self.element_references[indices]
    elemrefs = jnp.take(element_references, indices, axis=0).astype(target.dtype)
    # reshaped: elemrefs.view(natoms_sum, -1)
    elemrefs = elemrefs.reshape(indices.shape[0], -1)
    # target.index_add(0, batch.batch, elemrefs, alpha=+1)
    out = target.at[batch].add(elemrefs)
    return out

if __name__ == "__main__":
    import jax
    _d = setup_inputs()
    print(jax.jit(kernel)(*tuple(_d.values())))

</pallas_src>

<mosaic_0001>
#map = affine_map<(d0, d1) -> (0)>
#map1 = affine_map<(d0, d1) -> (0, 0)>
module attributes {stable_mosaic.version = 14 : i64} {
  func.func @k(%arg0: i32, %arg1: i32, %arg2: memref<2097152xi32, #tpu.memory_space<hbm>>, %arg3: memref<2097152xi32, #tpu.memory_space<hbm>>, %arg4: memref<119xf32, #tpu.memory_space<hbm>>, %arg5: memref<32x16384xf32, #tpu.memory_space<hbm>>, %arg6: memref<119xf32, #tpu.memory_space<vmem>>, %arg7: memref<8192xi32, #tpu.memory_space<vmem>>, %arg8: memref<8192xi32, #tpu.memory_space<vmem>>, %arg9: memref<8208xi32, #tpu.memory_space<vmem>>, %arg10: memref<8208xi32, #tpu.memory_space<vmem>>, %arg11: memref<16384xf32, #tpu.memory_space<vmem>>, %arg12: memref<!tpu.dma_semaphore, #tpu.memory_space<semaphore_mem>>, %arg13: memref<!tpu.dma_semaphore, #tpu.memory_space<semaphore_mem>>) attributes {dimension_semantics = [#tpu.dimension_semantics<core_parallel>, #tpu.dimension_semantics<subcore_parallel>], iteration_bounds = array<i64: 2, 16>, scalar_prefetch = 0 : i64, scratch_operands = 8 : i64, tpu.core_type = #tpu.core_type<sc_vector_subcore>, window_params = [{transform_indices = #map}, {transform_indices = #map}, {transform_indices = #map}, {transform_indices = #map1}]} {
    %mul3A = arith.constant 2 : i32
    %mul3A_0 = arith.muli %arg1, %mul3A : i32
    %add3A = arith.addi %mul3A_0, %arg0 : i32
    %mul3A_1 = arith.constant 65536 : i32
    %mul3A_2 = arith.muli %add3A, %mul3A_1 : i32
    "tpu.region"() ({
      %run_scoped3A = tpu.sem_alloc : memref<!tpu.dma_semaphore, #tpu.memory_space<semaphore_mem>>
      tpu.enqueue_dma source(%arg4 : memref<119xf32, #tpu.memory_space<hbm>>) target(%arg6 : memref<119xf32, #tpu.memory_space<vmem>>) target_semaphore(%run_scoped3A : memref<!tpu.dma_semaphore, #tpu.memory_space<semaphore_mem>>)
      tpu.wait_dma2 semaphore(%run_scoped3A : memref<!tpu.dma_semaphore, #tpu.memory_space<semaphore_mem>>) src(%arg4 : memref<119xf32, #tpu.memory_space<hbm>>) dst(%arg6 : memref<119xf32, #tpu.memory_space<vmem>>)
      tpu.yield
    }) : () -> ()
    %add3A_3 = arith.constant 0 : i32
    %add3A_4 = arith.addi %mul3A_2, %add3A_3 : i32
    %dma_start3A = tpu.memref_slice %arg2[%add3A_4] : memref<2097152xi32, #tpu.memory_space<hbm>> -> memref<8192xi32, #tpu.memory_space<hbm>>
    %dma_start3A_5 = tpu.memref_slice %arg2[%add3A_4] : memref<2097152xi32, #tpu.memory_space<hbm>> -> memref<8192xi32, #tpu.memory_space<hbm>>
    tpu.enqueue_dma source(%dma_start3A_5 : memref<8192xi32, #tpu.memory_space<hbm>>) target(%arg7 : memref<8192xi32, #tpu.memory_space<vmem>>) target_semaphore(%arg12 : memref<!tpu.dma_semaphore, #tpu.memory_space<semaphore_mem>>)
    %dma_start3A_6 = arith.constant 8 : i32
    %dma_start3A_7 = tpu.memref_slice %arg9[%dma_start3A_6] : memref<8208xi32, #tpu.memory_space<vmem>> -> memref<8192xi32, #tpu.memory_space<vmem>>
    %dma_start3A_8 = tpu.memref_slice %arg3[%add3A_4] : memref<2097152xi32, #tpu.memory_space<hbm>> -> memref<8192xi32, #tpu.memory_space<hbm>>
    %dma_start3A_9 = arith.constant 8 : i32
    %dma_start3A_10 = tpu.memref_slice %arg9[%dma_start3A_9] : memref<8208xi32, #tpu.memory_space<vmem>> -> memref<8192xi32, #tpu.memory_space<vmem>>
    %dma_start3A_11 = tpu.memref_slice %arg3[%add3A_4] : memref<2097152xi32, #tpu.memory_space<hbm>> -> memref<8192xi32, #tpu.memory_space<hbm>>
    tpu.enqueue_dma source(%dma_start3A_11 : memref<8192xi32, #tpu.memory_space<hbm>>) target(%dma_start3A_10 : memref<8192xi32, #tpu.memory_space<vmem>>) target_semaphore(%arg12 : memref<!tpu.dma_semaphore, #tpu.memory_space<semaphore_mem>>)
    %broadcast_in_dim3A = arith.constant 0.000000e+00 : f32
    %broadcast_in_dim3A_12 = vector.broadcast %broadcast_in_dim3A : f32 to vector<16xf32>
    %parallel_loop3A = arith.constant 0 : i32
    %parallel_loop3A_13 = arith.constant 1024 : i32
    %parallel_loop3A_14 = arith.constant 1 : i32
    scf.for %parallel_loop3A_174 = %parallel_loop3A to %parallel_loop3A_13 step %parallel_loop3A_14  : i32 {
      %parallel_loop3A_175 = arith.constant 16 : i32
      %parallel_loop3A_176 = arith.muli %parallel_loop3A_174, %parallel_loop3A_175 : i32
      %parallel_loop3A_177 = arith.index_cast %parallel_loop3A_176 : i32 to index
      %parallel_loop3A_178 = tpu.vector_load %arg11[%parallel_loop3A_177] {strides = array<i32>} : memref<16384xf32, #tpu.memory_space<vmem>>, vector<16xf32>,
      tpu.vector_store %arg11[%parallel_loop3A_177], %broadcast_in_dim3A_12 {strides = array<i32>} : memref<16384xf32, #tpu.memory_space<vmem>>, vector<16xf32>,
    } {sc.loop_unroll_factor = 8 : i64, sc.parallel_access}
    %iota3A = tpu.iota {dimensions = array<i32: 0>} : vector<16xi32>
    %eq3A = arith.constant 15 : i32
    %eq3A_15 = vector.broadcast %eq3A : i32 to vector<16xi32>
    %eq3A_16 = arith.cmpi eq, %iota3A, %eq3A_15 : vector<16xi32>
    %add3A_17 = arith.constant 8192 : i32
    %add3A_18 = arith.addi %mul3A_2, %add3A_17 : i32
    %dma_start3A_19 = tpu.memref_slice %arg2[%add3A_18] : memref<2097152xi32, #tpu.memory_space<hbm>> -> memref<8192xi32, #tpu.memory_space<hbm>>
    %dma_start3A_20 = tpu.memref_slice %arg2[%add3A_18] : memref<2097152xi32, #tpu.memory_space<hbm>> -> memref<8192xi32, #tpu.memory_space<hbm>>
    tpu.enqueue_dma source(%dma_start3A_20 : memref<8192xi32, #tpu.memory_space<hbm>>) target(%arg8 : memref<8192xi32, #tpu.memory_space<vmem>>) target_semaphore(%arg13 : memref<!tpu.dma_semaphore, #tpu.memory_space<semaphore_mem>>)
    %dma_start3A_21 = arith.constant 8 : i32
    %dma_start3A_22 = tpu.memref_slice %arg10[%dma_start3A_21] : memref<8208xi32, #tpu.memory_space<vmem>> -> memref<8192xi32, #tpu.memory_space<vmem>>
    %dma_start3A_23 = tpu.memref_slice %arg3[%add3A_18] : memref<2097152xi32, #tpu.memory_space<hbm>> -> memref<8192xi32, #tpu.memory_space<hbm>>
    %dma_start3A_24 = arith.constant 8 : i32
    %dma_start3A_25 = tpu.memref_slice %arg10[%dma_start3A_24] : memref<8208xi32, #tpu.memory_space<vmem>> -> memref<8192xi32, #tpu.memory_space<vmem>>
    %dma_start3A_26 = tpu.memref_slice %arg3[%add3A_18] : memref<2097152xi32, #tpu.memory_space<hbm>> -> memref<8192xi32, #tpu.memory_space<hbm>>
    tpu.enqueue_dma source(%dma_start3A_26 : memref<8192xi32, #tpu.memory_space<hbm>>) target(%dma_start3A_25 : memref<8192xi32, #tpu.memory_space<vmem>>) target_semaphore(%arg13 : memref<!tpu.dma_semaphore, #tpu.memory_space<semaphore_mem>>)
    %dma_wait3A = tpu.memref_slice %arg2[%add3A_4] : memref<2097152xi32, #tpu.memory_space<hbm>> -> memref<8192xi32, #tpu.memory_space<hbm>>
    %dma_wait3A_27 = tpu.memref_slice %arg2[%add3A_4] : memref<2097152xi32, #tpu.memory_space<hbm>> -> memref<8192xi32, #tpu.memory_space<hbm>>
    tpu.wait_dma2 semaphore(%arg12 : memref<!tpu.dma_semaphore, #tpu.memory_space<semaphore_mem>>) src(%dma_wait3A_27 : memref<8192xi32, #tpu.memory_space<hbm>>) dst(%arg7 : memref<8192xi32, #tpu.memory_space<vmem>>)
    %dma_wait3A_28 = arith.constant 8 : i32
    %dma_wait3A_29 = tpu.memref_slice %arg9[%dma_wait3A_28] : memref<8208xi32, #tpu.memory_space<vmem>> -> memref<8192xi32, #tpu.memory_space<vmem>>
    %dma_wait3A_30 = tpu.memref_slice %arg3[%add3A_4] : memref<2097152xi32, #tpu.memory_space<hbm>> -> memref<8192xi32, #tpu.memory_space<hbm>>
    %dma_wait3A_31 = arith.constant 8 : i32
    %dma_wait3A_32 = tpu.memref_slice %arg9[%dma_wait3A_31] : memref<8208xi32, #tpu.memory_space<vmem>> -> memref<8192xi32, #tpu.memory_space<vmem>>
    %dma_wait3A_33 = tpu.memref_slice %arg3[%add3A_4] : memref<2097152xi32, #tpu.memory_space<hbm>> -> memref<8192xi32, #tpu.memory_space<hbm>>
    tpu.wait_dma2 semaphore(%arg12 : memref<!tpu.dma_semaphore, #tpu.memory_space<semaphore_mem>>) src(%dma_wait3A_33 : memref<8192xi32, #tpu.memory_space<hbm>>) dst(%dma_wait3A_32 : memref<8192xi32, #tpu.memory_space<vmem>>)
    %parallel_loop3A_34 = arith.constant 0 : i32
    %parallel_loop3A_35 = arith.constant 512 : i32
    %parallel_loop3A_36 = arith.constant 1 : i32
    scf.for %parallel_loop3A_174 = %parallel_loop3A_34 to %parallel_loop3A_35 step %parallel_loop3A_36  : i32 {
      %parallel_loop3A_175 = arith.constant 16 : i32
      %parallel_loop3A_176 = arith.muli %parallel_loop3A_174, %parallel_loop3A_175 : i32
      %parallel_loop3A_177 = arith.index_cast %parallel_loop3A_176 : i32 to index
      %parallel_loop3A_178 = tpu.vector_load %arg7[%parallel_loop3A_177] {strides = array<i32>} : memref<8192xi32, #tpu.memory_space<vmem>>, vector<16xi32>,
      %parallel_loop3A_179 = tpu.vector_load_idx %arg6[%parallel_loop3A_178] : memref<119xf32, #tpu.memory_space<vmem>>[vector<16xi32>], vector<16xf32>,
      %parallel_loop3A_180 = arith.constant true
      %parallel_loop3A_181 = vector.broadcast %parallel_loop3A_180 : i1 to vector<16xi1>
      %parallel_loop3A_182 = tpu.scan <sum>, %parallel_loop3A_179 masked %parallel_loop3A_181 : vector<16xf32>, vector<16xi1> -> vector<16xf32>
      %parallel_loop3A_183 = arith.constant 8 : i32
      %parallel_loop3A_184 = arith.addi %parallel_loop3A_183, %parallel_loop3A_176 : i32
      %parallel_loop3A_185 = arith.index_cast %parallel_loop3A_184 : i32 to index
      %parallel_loop3A_186 = tpu.vector_load %arg9[%parallel_loop3A_185] {strides = array<i32>} : memref<8208xi32, #tpu.memory_space<vmem>>, vector<16xi32>,
      %parallel_loop3A_187 = arith.constant 9 : i32
      %parallel_loop3A_188 = arith.addi %parallel_loop3A_187, %parallel_loop3A_176 : i32
      %parallel_loop3A_189 = arith.index_cast %parallel_loop3A_188 : i32 to index
      %parallel_loop3A_190 = tpu.vector_load %arg9[%parallel_loop3A_189] {strides = array<i32>} : memref<8208xi32, #tpu.memory_space<vmem>>, vector<16xi32>,
      %parallel_loop3A_191 = arith.cmpi ne, %parallel_loop3A_186, %parallel_loop3A_190 : vector<16xi32>
      %parallel_loop3A_192 = arith.ori %parallel_loop3A_191, %eq3A_16 : vector<16xi1>
      %parallel_loop3A_193 = arith.constant dense<true> : vector<16xi1>
      %parallel_loop3A_194 = arith.xori %eq3A_16, %parallel_loop3A_193 : vector<16xi1>
      %parallel_loop3A_195 = arith.andi %parallel_loop3A_191, %parallel_loop3A_194 : vector<16xi1>
      tpu.vector_store_idx %arg11[%parallel_loop3A_186], %parallel_loop3A_182 masked %parallel_loop3A_192 {add = true} : memref<16384xf32, #tpu.memory_space<vmem>>[vector<16xi32>], vector<16xf32>, vector<16xi1>
      %parallel_loop3A_196 = arith.constant 0.000000e+00 : f32
      %parallel_loop3A_197 = vector.broadcast %parallel_loop3A_196 : f32 to vector<16xf32>
      %parallel_loop3A_198 = arith.subf %parallel_loop3A_197, %parallel_loop3A_182 : vector<16xf32>
      tpu.vector_store_idx %arg11[%parallel_loop3A_190], %parallel_loop3A_198 masked %parallel_loop3A_195 {add = true} : memref<16384xf32, #tpu.memory_space<vmem>>[vector<16xi32>], vector<16xf32>, vector<16xi1>
    } {sc.loop_unroll_factor = 8 : i64, sc.parallel_access}
    %add3A_37 = arith.constant 16384 : i32
    %add3A_38 = arith.addi %mul3A_2, %add3A_37 : i32
    %dma_start3A_39 = tpu.memref_slice %arg2[%add3A_38] : memref<2097152xi32, #tpu.memory_space<hbm>> -> memref<8192xi32, #tpu.memory_space<hbm>>
    %dma_start3A_40 = tpu.memref_slice %arg2[%add3A_38] : memref<2097152xi32, #tpu.memory_space<hbm>> -> memref<8192xi32, #tpu.memory_space<hbm>>
    tpu.enqueue_dma source(%dma_start3A_40 : memref<8192xi32, #tpu.memory_space<hbm>>) target(%arg7 : memref<8192xi32, #tpu.memory_space<vmem>>) target_semaphore(%arg12 : memref<!tpu.dma_semaphore, #tpu.memory_space<semaphore_mem>>)
    %dma_start3A_41 = arith.constant 8 : i32
    %dma_start3A_42 = tpu.memref_slice %arg9[%dma_start3A_41] : memref<8208xi32, #tpu.memory_space<vmem>> -> memref<8192xi32, #tpu.memory_space<vmem>>
    %dma_start3A_43 = tpu.memref_slice %arg3[%add3A_38] : memref<2097152xi32, #tpu.memory_space<hbm>> -> memref<8192xi32, #tpu.memory_space<hbm>>
    %dma_start3A_44 = arith.constant 8 : i32
    %dma_start3A_45 = tpu.memref_slice %arg9[%dma_start3A_44] : memref<8208xi32, #tpu.memory_space<vmem>> -> memref<8192xi32, #tpu.memory_space<vmem>>
    %dma_start3A_46 = tpu.memref_slice %arg3[%add3A_38] : memref<2097152xi32, #tpu.memory_space<hbm>> -> memref<8192xi32, #tpu.memory_space<hbm>>
    tpu.enqueue_dma source(%dma_start3A_46 : memref<8192xi32, #tpu.memory_space<hbm>>) target(%dma_start3A_45 : memref<8192xi32, #tpu.memory_space<vmem>>) target_semaphore(%arg12 : memref<!tpu.dma_semaphore, #tpu.memory_space<semaphore_mem>>)
    %dma_wait3A_47 = tpu.memref_slice %arg2[%add3A_18] : memref<2097152xi32, #tpu.memory_space<hbm>> -> memref<8192xi32, #tpu.memory_space<hbm>>
    %dma_wait3A_48 = tpu.memref_slice %arg2[%add3A_18] : memref<2097152xi32, #tpu.memory_space<hbm>> -> memref<8192xi32, #tpu.memory_space<hbm>>
    tpu.wait_dma2 semaphore(%arg13 : memref<!tpu.dma_semaphore, #tpu.memory_space<semaphore_mem>>) src(%dma_wait3A_48 : memref<8192xi32, #tpu.memory_space<hbm>>) dst(%arg8 : memref<8192xi32, #tpu.memory_space<vmem>>)
    %dma_wait3A_49 = arith.constant 8 : i32
    %dma_wait3A_50 = tpu.memref_slice %arg10[%dma_wait3A_49] : memref<8208xi32, #tpu.memory_space<vmem>> -> memref<8192xi32, #tpu.memory_space<vmem>>
    %dma_wait3A_51 = tpu.memref_slice %arg3[%add3A_18] : memref<2097152xi32, #tpu.memory_space<hbm>> -> memref<8192xi32, #tpu.memory_space<hbm>>
    %dma_wait3A_52 = arith.constant 8 : i32
    %dma_wait3A_53 = tpu.memref_slice %arg10[%dma_wait3A_52] : memref<8208xi32, #tpu.memory_space<vmem>> -> memref<8192xi32, #tpu.memory_space<vmem>>
    %dma_wait3A_54 = tpu.memref_slice %arg3[%add3A_18] : memref<2097152xi32, #tpu.memory_space<hbm>> -> memref<8192xi32, #tpu.memory_space<hbm>>
    tpu.wait_dma2 semaphore(%arg13 : memref<!tpu.dma_semaphore, #tpu.memory_space<semaphore_mem>>) src(%dma_wait3A_54 : memref<8192xi32, #tpu.memory_space<hbm>>) dst(%dma_wait3A_53 : memref<8192xi32, #tpu.memory_space<vmem>>)
    %parallel_loop3A_55 = arith.constant 0 : i32
    %parallel_loop3A_56 = arith.constant 512 : i32
    %parallel_loop3A_57 = arith.constant 1 : i32
    scf.for %parallel_loop3A_174 = %parallel_loop3A_55 to %parallel_loop3A_56 step %parallel_loop3A_57  : i32 {
      %parallel_loop3A_175 = arith.constant 16 : i32
      %parallel_loop3A_176 = arith.muli %parallel_loop3A_174, %parallel_loop3A_175 : i32
      %parallel_loop3A_177 = arith.index_cast %parallel_loop3A_176 : i32 to index
      %parallel_loop3A_178 = tpu.vector_load %arg8[%parallel_loop3A_177] {strides = array<i32>} : memref<8192xi32, #tpu.memory_space<vmem>>, vector<16xi32>,
      %parallel_loop3A_179 = tpu.vector_load_idx %arg6[%parallel_loop3A_178] : memref<119xf32, #tpu.memory_space<vmem>>[vector<16xi32>], vector<16xf32>,
      %parallel_loop3A_180 = arith.constant true
      %parallel_loop3A_181 = vector.broadcast %parallel_loop3A_180 : i1 to vector<16xi1>
      %parallel_loop3A_182 = tpu.scan <sum>, %parallel_loop3A_179 masked %parallel_loop3A_181 : vector<16xf32>, vector<16xi1> -> vector<16xf32>
      %parallel_loop3A_183 = arith.constant 8 : i32
      %parallel_loop3A_184 = arith.addi %parallel_loop3A_183, %parallel_loop3A_176 : i32
      %parallel_loop3A_185 = arith.index_cast %parallel_loop3A_184 : i32 to index
      %parallel_loop3A_186 = tpu.vector_load %arg10[%parallel_loop3A_185] {strides = array<i32>} : memref<8208xi32, #tpu.memory_space<vmem>>, vector<16xi32>,
      %parallel_loop3A_187 = arith.constant 9 : i32
      %parallel_loop3A_188 = arith.addi %parallel_loop3A_187, %parallel_loop3A_176 : i32
      %parallel_loop3A_189 = arith.index_cast %parallel_loop3A_188 : i32 to index
      %parallel_loop3A_190 = tpu.vector_load %arg10[%parallel_loop3A_189] {strides = array<i32>} : memref<8208xi32, #tpu.memory_space<vmem>>, vector<16xi32>,
      %parallel_loop3A_191 = arith.cmpi ne, %parallel_loop3A_186, %parallel_loop3A_190 : vector<16xi32>
      %parallel_loop3A_192 = arith.ori %parallel_loop3A_191, %eq3A_16 : vector<16xi1>
      %parallel_loop3A_193 = arith.constant dense<true> : vector<16xi1>
      %parallel_loop3A_194 = arith.xori %eq3A_16, %parallel_loop3A_193 : vector<16xi1>
      %parallel_loop3A_195 = arith.andi %parallel_loop3A_191, %parallel_loop3A_194 : vector<16xi1>
      tpu.vector_store_idx %arg11[%parallel_loop3A_186], %parallel_loop3A_182 masked %parallel_loop3A_192 {add = true} : memref<16384xf32, #tpu.memory_space<vmem>>[vector<16xi32>], vector<16xf32>, vector<16xi1>
      %parallel_loop3A_196 = arith.constant 0.000000e+00 : f32
      %parallel_loop3A_197 = vector.broadcast %parallel_loop3A_196 : f32 to vector<16xf32>
      %parallel_loop3A_198 = arith.subf %parallel_loop3A_197, %parallel_loop3A_182 : vector<16xf32>
      tpu.vector_store_idx %arg11[%parallel_loop3A_190], %parallel_loop3A_198 masked %parallel_loop3A_195 {add = true} : memref<16384xf32, #tpu.memory_space<vmem>>[vector<16xi32>], vector<16xf32>, vector<16xi1>
    } {sc.loop_unroll_factor = 8 : i64, sc.parallel_access}
    %add3A_58 = arith.constant 24576 : i32
    %add3A_59 = arith.addi %mul3A_2, %add3A_58 : i32
    %dma_start3A_60 = tpu.memref_slice %arg2[%add3A_59] : memref<2097152xi32, #tpu.memory_space<hbm>> -> memref<8192xi32, #tpu.memory_space<hbm>>
    %dma_start3A_61 = tpu.memref_slice %arg2[%add3A_59] : memref<2097152xi32, #tpu.memory_space<hbm>> -> memref<8192xi32, #tpu.memory_space<hbm>>
    tpu.enqueue_dma source(%dma_start3A_61 : memref<8192xi32, #tpu.memory_space<hbm>>) target(%arg8 : memref<8192xi32, #tpu.memory_space<vmem>>) target_semaphore(%arg13 : memref<!tpu.dma_semaphore, #tpu.memory_space<semaphore_mem>>)
    %dma_start3A_62 = arith.constant 8 : i32
    %dma_start3A_63 = tpu.memref_slice %arg10[%dma_start3A_62] : memref<8208xi32, #tpu.memory_space<vmem>> -> memref<8192xi32, #tpu.memory_space<vmem>>
    %dma_start3A_64 = tpu.memref_slice %arg3[%add3A_59] : memref<2097152xi32, #tpu.memory_space<hbm>> -> memref<8192xi32, #tpu.memory_space<hbm>>
    %dma_start3A_65 = arith.constant 8 : i32
    %dma_start3A_66 = tpu.memref_slice %arg10[%dma_start3A_65] : memref<8208xi32, #tpu.memory_space<vmem>> -> memref<8192xi32, #tpu.memory_space<vmem>>
    %dma_start3A_67 = tpu.memref_slice %arg3[%add3A_59] : memref<2097152xi32, #tpu.memory_space<hbm>> -> memref<8192xi32, #tpu.memory_space<hbm>>
    tpu.enqueue_dma source(%dma_start3A_67 : memref<8192xi32, #tpu.memory_space<hbm>>) target(%dma_start3A_66 : memref<8192xi32, #tpu.memory_space<vmem>>) target_semaphore(%arg13 : memref<!tpu.dma_semaphore, #tpu.memory_space<semaphore_mem>>)
    %dma_wait3A_68 = tpu.memref_slice %arg2[%add3A_38] : memref<2097152xi32, #tpu.memory_space<hbm>> -> memref<8192xi32, #tpu.memory_space<hbm>>
    %dma_wait3A_69 = tpu.memref_slice %arg2[%add3A_38] : memref<2097152xi32, #tpu.memory_space<hbm>> -> memref<8192xi32, #tpu.memory_space<hbm>>
    tpu.wait_dma2 semaphore(%arg12 : memref<!tpu.dma_semaphore, #tpu.memory_space<semaphore_mem>>) src(%dma_wait3A_69 : memref<8192xi32, #tpu.memory_space<hbm>>) dst(%arg7 : memref<8192xi32, #tpu.memory_space<vmem>>)
    %dma_wait3A_70 = arith.constant 8 : i32
    %dma_wait3A_71 = tpu.memref_slice %arg9[%dma_wait3A_70] : memref<8208xi32, #tpu.memory_space<vmem>> -> memref<8192xi32, #tpu.memory_space<vmem>>
    %dma_wait3A_72 = tpu.memref_slice %arg3[%add3A_38] : memref<2097152xi32, #tpu.memory_space<hbm>> -> memref<8192xi32, #tpu.memory_space<hbm>>
    %dma_wait3A_73 = arith.constant 8 : i32
    %dma_wait3A_74 = tpu.memref_slice %arg9[%dma_wait3A_73] : memref<8208xi32, #tpu.memory_space<vmem>> -> memref<8192xi32, #tpu.memory_space<vmem>>
    %dma_wait3A_75 = tpu.memref_slice %arg3[%add3A_38] : memref<2097152xi32, #tpu.memory_space<hbm>> -> memref<8192xi32, #tpu.memory_space<hbm>>
    tpu.wait_dma2 semaphore(%arg12 : memref<!tpu.dma_semaphore, #tpu.memory_space<semaphore_mem>>) src(%dma_wait3A_75 : memref<8192xi32, #tpu.memory_space<hbm>>) dst(%dma_wait3A_74 : memref<8192xi32, #tpu.memory_space<vmem>>)
    %parallel_loop3A_76 = arith.constant 0 : i32
    %parallel_loop3A_77 = arith.constant 512 : i32
    %parallel_loop3A_78 = arith.constant 1 : i32
    scf.for %parallel_loop3A_174 = %parallel_loop3A_76 to %parallel_loop3A_77 step %parallel_loop3A_78  : i32 {
      %parallel_loop3A_175 = arith.constant 16 : i32
      %parallel_loop3A_176 = arith.muli %parallel_loop3A_174, %parallel_loop3A_175 : i32
      %parallel_loop3A_177 = arith.index_cast %parallel_loop3A_176 : i32 to index
      %parallel_loop3A_178 = tpu.vector_load %arg7[%parallel_loop3A_177] {strides = array<i32>} : memref<8192xi32, #tpu.memory_space<vmem>>, vector<16xi32>,
      %parallel_loop3A_179 = tpu.vector_load_idx %arg6[%parallel_loop3A_178] : memref<119xf32, #tpu.memory_space<vmem>>[vector<16xi32>], vector<16xf32>,
      %parallel_loop3A_180 = arith.constant true
      %parallel_loop3A_181 = vector.broadcast %parallel_loop3A_180 : i1 to vector<16xi1>
      %parallel_loop3A_182 = tpu.scan <sum>, %parallel_loop3A_179 masked %parallel_loop3A_181 : vector<16xf32>, vector<16xi1> -> vector<16xf32>
      %parallel_loop3A_183 = arith.constant 8 : i32
      %parallel_loop3A_184 = arith.addi %parallel_loop3A_183, %parallel_loop3A_176 : i32
      %parallel_loop3A_185 = arith.index_cast %parallel_loop3A_184 : i32 to index
      %parallel_loop3A_186 = tpu.vector_load %arg9[%parallel_loop3A_185] {strides = array<i32>} : memref<8208xi32, #tpu.memory_space<vmem>>, vector<16xi32>,
      %parallel_loop3A_187 = arith.constant 9 : i32
      %parallel_loop3A_188 = arith.addi %parallel_loop3A_187, %parallel_loop3A_176 : i32
      %parallel_loop3A_189 = arith.index_cast %parallel_loop3A_188 : i32 to index
      %parallel_loop3A_190 = tpu.vector_load %arg9[%parallel_loop3A_189] {strides = array<i32>} : memref<8208xi32, #tpu.memory_space<vmem>>, vector<16xi32>,
      %parallel_loop3A_191 = arith.cmpi ne, %parallel_loop3A_186, %parallel_loop3A_190 : vector<16xi32>
      %parallel_loop3A_192 = arith.ori %parallel_loop3A_191, %eq3A_16 : vector<16xi1>
      %parallel_loop3A_193 = arith.constant dense<true> : vector<16xi1>
      %parallel_loop3A_194 = arith.xori %eq3A_16, %parallel_loop3A_193 : vector<16xi1>
      %parallel_loop3A_195 = arith.andi %parallel_loop3A_191, %parallel_loop3A_194 : vector<16xi1>
      tpu.vector_store_idx %arg11[%parallel_loop3A_186], %parallel_loop3A_182 masked %parallel_loop3A_192 {add = true} : memref<16384xf32, #tpu.memory_space<vmem>>[vector<16xi32>], vector<16xf32>, vector<16xi1>
      %parallel_loop3A_196 = arith.constant 0.000000e+00 : f32
      %parallel_loop3A_197 = vector.broadcast %parallel_loop3A_196 : f32 to vector<16xf32>
      %parallel_loop3A_198 = arith.subf %parallel_loop3A_197, %parallel_loop3A_182 : vector<16xf32>
      tpu.vector_store_idx %arg11[%parallel_loop3A_190], %parallel_loop3A_198 masked %parallel_loop3A_195 {add = true} : memref<16384xf32, #tpu.memory_space<vmem>>[vector<16xi32>], vector<16xf32>, vector<16xi1>
    } {sc.loop_unroll_factor = 8 : i64, sc.parallel_access}
    %add3A_79 = arith.constant 32768 : i32
    %add3A_80 = arith.addi %mul3A_2, %add3A_79 : i32
    %dma_start3A_81 = tpu.memref_slice %arg2[%add3A_80] : memref<2097152xi32, #tpu.memory_space<hbm>> -> memref<8192xi32, #tpu.memory_space<hbm>>
    %dma_start3A_82 = tpu.memref_slice %arg2[%add3A_80] : memref<2097152xi32, #tpu.memory_space<hbm>> -> memref<8192xi32, #tpu.memory_space<hbm>>
    tpu.enqueue_dma source(%dma_start3A_82 : memref<8192xi32, #tpu.memory_space<hbm>>) target(%arg7 : memref<8192xi32, #tpu.memory_space<vmem>>) target_semaphore(%arg12 : memref<!tpu.dma_semaphore, #tpu.memory_space<semaphore_mem>>)
    %dma_start3A_83 = arith.constant 8 : i32
    %dma_start3A_84 = tpu.memref_slice %arg9[%dma_start3A_83] : memref<8208xi32, #tpu.memory_space<vmem>> -> memref<8192xi32, #tpu.memory_space<vmem>>
    %dma_start3A_85 = tpu.memref_slice %arg3[%add3A_80] : memref<2097152xi32, #tpu.memory_space<hbm>> -> memref<8192xi32, #tpu.memory_space<hbm>>
    %dma_start3A_86 = arith.constant 8 : i32
    %dma_start3A_87 = tpu.memref_slice %arg9[%dma_start3A_86] : memref<8208xi32, #tpu.memory_space<vmem>> -> memref<8192xi32, #tpu.memory_space<vmem>>
    %dma_start3A_88 = tpu.memref_slice %arg3[%add3A_80] : memref<2097152xi32, #tpu.memory_space<hbm>> -> memref<8192xi32, #tpu.memory_space<hbm>>
    tpu.enqueue_dma source(%dma_start3A_88 : memref<8192xi32, #tpu.memory_space<hbm>>) target(%dma_start3A_87 : memref<8192xi32, #tpu.memory_space<vmem>>) target_semaphore(%arg12 : memref<!tpu.dma_semaphore, #tpu.memory_space<semaphore_mem>>)
    %dma_wait3A_89 = tpu.memref_slice %arg2[%add3A_59] : memref<2097152xi32, #tpu.memory_space<hbm>> -> memref<8192xi32, #tpu.memory_space<hbm>>
    %dma_wait3A_90 = tpu.memref_slice %arg2[%add3A_59] : memref<2097152xi32, #tpu.memory_space<hbm>> -> memref<8192xi32, #tpu.memory_space<hbm>>
    tpu.wait_dma2 semaphore(%arg13 : memref<!tpu.dma_semaphore, #tpu.memory_space<semaphore_mem>>) src(%dma_wait3A_90 : memref<8192xi32, #tpu.memory_space<hbm>>) dst(%arg8 : memref<8192xi32, #tpu.memory_space<vmem>>)
    %dma_wait3A_91 = arith.constant 8 : i32
    %dma_wait3A_92 = tpu.memref_slice %arg10[%dma_wait3A_91] : memref<8208xi32, #tpu.memory_space<vmem>> -> memref<8192xi32, #tpu.memory_space<vmem>>
    %dma_wait3A_93 = tpu.memref_slice %arg3[%add3A_59] : memref<2097152xi32, #tpu.memory_space<hbm>> -> memref<8192xi32, #tpu.memory_space<hbm>>
    %dma_wait3A_94 = arith.constant 8 : i32
    %dma_wait3A_95 = tpu.memref_slice %arg10[%dma_wait3A_94] : memref<8208xi32, #tpu.memory_space<vmem>> -> memref<8192xi32, #tpu.memory_space<vmem>>
    %dma_wait3A_96 = tpu.memref_slice %arg3[%add3A_59] : memref<2097152xi32, #tpu.memory_space<hbm>> -> memref<8192xi32, #tpu.memory_space<hbm>>
    tpu.wait_dma2 semaphore(%arg13 : memref<!tpu.dma_semaphore, #tpu.memory_space<semaphore_mem>>) src(%dma_wait3A_96 : memref<8192xi32, #tpu.memory_space<hbm>>) dst(%dma_wait3A_95 : memref<8192xi32, #tpu.memory_space<vmem>>)
    %parallel_loop3A_97 = arith.constant 0 : i32
    %parallel_loop3A_98 = arith.constant 512 : i32
    %parallel_loop3A_99 = arith.constant 1 : i32
    scf.for %parallel_loop3A_174 = %parallel_loop3A_97 to %parallel_loop3A_98 step %parallel_loop3A_99  : i32 {
      %parallel_loop3A_175 = arith.constant 16 : i32
      %parallel_loop3A_176 = arith.muli %parallel_loop3A_174, %parallel_loop3A_175 : i32
      %parallel_loop3A_177 = arith.index_cast %parallel_loop3A_176 : i32 to index
      %parallel_loop3A_178 = tpu.vector_load %arg8[%parallel_loop3A_177] {strides = array<i32>} : memref<8192xi32, #tpu.memory_space<vmem>>, vector<16xi32>,
      %parallel_loop3A_179 = tpu.vector_load_idx %arg6[%parallel_loop3A_178] : memref<119xf32, #tpu.memory_space<vmem>>[vector<16xi32>], vector<16xf32>,
      %parallel_loop3A_180 = arith.constant true
      %parallel_loop3A_181 = vector.broadcast %parallel_loop3A_180 : i1 to vector<16xi1>
      %parallel_loop3A_182 = tpu.scan <sum>, %parallel_loop3A_179 masked %parallel_loop3A_181 : vector<16xf32>, vector<16xi1> -> vector<16xf32>
      %parallel_loop3A_183 = arith.constant 8 : i32
      %parallel_loop3A_184 = arith.addi %parallel_loop3A_183, %parallel_loop3A_176 : i32
      %parallel_loop3A_185 = arith.index_cast %parallel_loop3A_184 : i32 to index
      %parallel_loop3A_186 = tpu.vector_load %arg10[%parallel_loop3A_185] {strides = array<i32>} : memref<8208xi32, #tpu.memory_space<vmem>>, vector<16xi32>,
      %parallel_loop3A_187 = arith.constant 9 : i32
      %parallel_loop3A_188 = arith.addi %parallel_loop3A_187, %parallel_loop3A_176 : i32
      %parallel_loop3A_189 = arith.index_cast %parallel_loop3A_188 : i32 to index
      %parallel_loop3A_190 = tpu.vector_load %arg10[%parallel_loop3A_189] {strides = array<i32>} : memref<8208xi32, #tpu.memory_space<vmem>>, vector<16xi32>,
      %parallel_loop3A_191 = arith.cmpi ne, %parallel_loop3A_186, %parallel_loop3A_190 : vector<16xi32>
      %parallel_loop3A_192 = arith.ori %parallel_loop3A_191, %eq3A_16 : vector<16xi1>
      %parallel_loop3A_193 = arith.constant dense<true> : vector<16xi1>
      %parallel_loop3A_194 = arith.xori %eq3A_16, %parallel_loop3A_193 : vector<16xi1>
      %parallel_loop3A_195 = arith.andi %parallel_loop3A_191, %parallel_loop3A_194 : vector<16xi1>
      tpu.vector_store_idx %arg11[%parallel_loop3A_186], %parallel_loop3A_182 masked %parallel_loop3A_192 {add = true} : memref<16384xf32, #tpu.memory_space<vmem>>[vector<16xi32>], vector<16xf32>, vector<16xi1>
      %parallel_loop3A_196 = arith.constant 0.000000e+00 : f32
      %parallel_loop3A_197 = vector.broadcast %parallel_loop3A_196 : f32 to vector<16xf32>
      %parallel_loop3A_198 = arith.subf %parallel_loop3A_197, %parallel_loop3A_182 : vector<16xf32>
      tpu.vector_store_idx %arg11[%parallel_loop3A_190], %parallel_loop3A_198 masked %parallel_loop3A_195 {add = true} : memref<16384xf32, #tpu.memory_space<vmem>>[vector<16xi32>], vector<16xf32>, vector<16xi1>
    } {sc.loop_unroll_factor = 8 : i64, sc.parallel_access}
    %add3A_100 = arith.constant 40960 : i32
    %add3A_101 = arith.addi %mul3A_2, %add3A_100 : i32
    %dma_start3A_102 = tpu.memref_slice %arg2[%add3A_101] : memref<2097152xi32, #tpu.memory_space<hbm>> -> memref<8192xi32, #tpu.memory_space<hbm>>
    %dma_start3A_103 = tpu.memref_slice %arg2[%add3A_101] : memref<2097152xi32, #tpu.memory_space<hbm>> -> memref<8192xi32, #tpu.memory_space<hbm>>
    tpu.enqueue_dma source(%dma_start3A_103 : memref<8192xi32, #tpu.memory_space<hbm>>) target(%arg8 : memref<8192xi32, #tpu.memory_space<vmem>>) target_semaphore(%arg13 : memref<!tpu.dma_semaphore, #tpu.memory_space<semaphore_mem>>)
    %dma_start3A_104 = arith.constant 8 : i32
    %dma_start3A_105 = tpu.memref_slice %arg10[%dma_start3A_104] : memref<8208xi32, #tpu.memory_space<vmem>> -> memref<8192xi32, #tpu.memory_space<vmem>>
    %dma_start3A_106 = tpu.memref_slice %arg3[%add3A_101] : memref<2097152xi32, #tpu.memory_space<hbm>> -> memref<8192xi32, #tpu.memory_space<hbm>>
    %dma_start3A_107 = arith.constant 8 : i32
    %dma_start3A_108 = tpu.memref_slice %arg10[%dma_start3A_107] : memref<8208xi32, #tpu.memory_space<vmem>> -> memref<8192xi32, #tpu.memory_space<vmem>>
    %dma_start3A_109 = tpu.memref_slice %arg3[%add3A_101] : memref<2097152xi32, #tpu.memory_space<hbm>> -> memref<8192xi32, #tpu.memory_space<hbm>>
    tpu.enqueue_dma source(%dma_start3A_109 : memref<8192xi32, #tpu.memory_space<hbm>>) target(%dma_start3A_108 : memref<8192xi32, #tpu.memory_space<vmem>>) target_semaphore(%arg13 : memref<!tpu.dma_semaphore, #tpu.memory_space<semaphore_mem>>)
    %dma_wait3A_110 = tpu.memref_slice %arg2[%add3A_80] : memref<2097152xi32, #tpu.memory_space<hbm>> -> memref<8192xi32, #tpu.memory_space<hbm>>
    %dma_wait3A_111 = tpu.memref_slice %arg2[%add3A_80] : memref<2097152xi32, #tpu.memory_space<hbm>> -> memref<8192xi32, #tpu.memory_space<hbm>>
    tpu.wait_dma2 semaphore(%arg12 : memref<!tpu.dma_semaphore, #tpu.memory_space<semaphore_mem>>) src(%dma_wait3A_111 : memref<8192xi32, #tpu.memory_space<hbm>>) dst(%arg7 : memref<8192xi32, #tpu.memory_space<vmem>>)
    %dma_wait3A_112 = arith.constant 8 : i32
    %dma_wait3A_113 = tpu.memref_slice %arg9[%dma_wait3A_112] : memref<8208xi32, #tpu.memory_space<vmem>> -> memref<8192xi32, #tpu.memory_space<vmem>>
    %dma_wait3A_114 = tpu.memref_slice %arg3[%add3A_80] : memref<2097152xi32, #tpu.memory_space<hbm>> -> memref<8192xi32, #tpu.memory_space<hbm>>
    %dma_wait3A_115 = arith.constant 8 : i32
    %dma_wait3A_116 = tpu.memref_slice %arg9[%dma_wait3A_115] : memref<8208xi32, #tpu.memory_space<vmem>> -> memref<8192xi32, #tpu.memory_space<vmem>>
    %dma_wait3A_117 = tpu.memref_slice %arg3[%add3A_80] : memref<2097152xi32, #tpu.memory_space<hbm>> -> memref<8192xi32, #tpu.memory_space<hbm>>
    tpu.wait_dma2 semaphore(%arg12 : memref<!tpu.dma_semaphore, #tpu.memory_space<semaphore_mem>>) src(%dma_wait3A_117 : memref<8192xi32, #tpu.memory_space<hbm>>) dst(%dma_wait3A_116 : memref<8192xi32, #tpu.memory_space<vmem>>)
    %parallel_loop3A_118 = arith.constant 0 : i32
    %parallel_loop3A_119 = arith.constant 512 : i32
    %parallel_loop3A_120 = arith.constant 1 : i32
    scf.for %parallel_loop3A_174 = %parallel_loop3A_118 to %parallel_loop3A_119 step %parallel_loop3A_120  : i32 {
      %parallel_loop3A_175 = arith.constant 16 : i32
      %parallel_loop3A_176 = arith.muli %parallel_loop3A_174, %parallel_loop3A_175 : i32
      %parallel_loop3A_177 = arith.index_cast %parallel_loop3A_176 : i32 to index
      %parallel_loop3A_178 = tpu.vector_load %arg7[%parallel_loop3A_177] {strides = array<i32>} : memref<8192xi32, #tpu.memory_space<vmem>>, vector<16xi32>,
      %parallel_loop3A_179 = tpu.vector_load_idx %arg6[%parallel_loop3A_178] : memref<119xf32, #tpu.memory_space<vmem>>[vector<16xi32>], vector<16xf32>,
      %parallel_loop3A_180 = arith.constant true
      %parallel_loop3A_181 = vector.broadcast %parallel_loop3A_180 : i1 to vector<16xi1>
      %parallel_loop3A_182 = tpu.scan <sum>, %parallel_loop3A_179 masked %parallel_loop3A_181 : vector<16xf32>, vector<16xi1> -> vector<16xf32>
      %parallel_loop3A_183 = arith.constant 8 : i32
      %parallel_loop3A_184 = arith.addi %parallel_loop3A_183, %parallel_loop3A_176 : i32
      %parallel_loop3A_185 = arith.index_cast %parallel_loop3A_184 : i32 to index
      %parallel_loop3A_186 = tpu.vector_load %arg9[%parallel_loop3A_185] {strides = array<i32>} : memref<8208xi32, #tpu.memory_space<vmem>>, vector<16xi32>,
      %parallel_loop3A_187 = arith.constant 9 : i32
      %parallel_loop3A_188 = arith.addi %parallel_loop3A_187, %parallel_loop3A_176 : i32
      %parallel_loop3A_189 = arith.index_cast %parallel_loop3A_188 : i32 to index
      %parallel_loop3A_190 = tpu.vector_load %arg9[%parallel_loop3A_189] {strides = array<i32>} : memref<8208xi32, #tpu.memory_space<vmem>>, vector<16xi32>,
      %parallel_loop3A_191 = arith.cmpi ne, %parallel_loop3A_186, %parallel_loop3A_190 : vector<16xi32>
      %parallel_loop3A_192 = arith.ori %parallel_loop3A_191, %eq3A_16 : vector<16xi1>
      %parallel_loop3A_193 = arith.constant dense<true> : vector<16xi1>
      %parallel_loop3A_194 = arith.xori %eq3A_16, %parallel_loop3A_193 : vector<16xi1>
      %parallel_loop3A_195 = arith.andi %parallel_loop3A_191, %parallel_loop3A_194 : vector<16xi1>
      tpu.vector_store_idx %arg11[%parallel_loop3A_186], %parallel_loop3A_182 masked %parallel_loop3A_192 {add = true} : memref<16384xf32, #tpu.memory_space<vmem>>[vector<16xi32>], vector<16xf32>, vector<16xi1>
      %parallel_loop3A_196 = arith.constant 0.000000e+00 : f32
      %parallel_loop3A_197 = vector.broadcast %parallel_loop3A_196 : f32 to vector<16xf32>
      %parallel_loop3A_198 = arith.subf %parallel_loop3A_197, %parallel_loop3A_182 : vector<16xf32>
      tpu.vector_store_idx %arg11[%parallel_loop3A_190], %parallel_loop3A_198 masked %parallel_loop3A_195 {add = true} : memref<16384xf32, #tpu.memory_space<vmem>>[vector<16xi32>], vector<16xf32>, vector<16xi1>
    } {sc.loop_unroll_factor = 8 : i64, sc.parallel_access}
    %add3A_121 = arith.constant 49152 : i32
    %add3A_122 = arith.addi %mul3A_2, %add3A_121 : i32
    %dma_start3A_123 = tpu.memref_slice %arg2[%add3A_122] : memref<2097152xi32, #tpu.memory_space<hbm>> -> memref<8192xi32, #tpu.memory_space<hbm>>
    %dma_start3A_124 = tpu.memref_slice %arg2[%add3A_122] : memref<2097152xi32, #tpu.memory_space<hbm>> -> memref<8192xi32, #tpu.memory_space<hbm>>
    tpu.enqueue_dma source(%dma_start3A_124 : memref<8192xi32, #tpu.memory_space<hbm>>) target(%arg7 : memref<8192xi32, #tpu.memory_space<vmem>>) target_semaphore(%arg12 : memref<!tpu.dma_semaphore, #tpu.memory_space<semaphore_mem>>)
    %dma_start3A_125 = arith.constant 8 : i32
    %dma_start3A_126 = tpu.memref_slice %arg9[%dma_start3A_125] : memref<8208xi32, #tpu.memory_space<vmem>> -> memref<8192xi32, #tpu.memory_space<vmem>>
    %dma_start3A_127 = tpu.memref_slice %arg3[%add3A_122] : memref<2097152xi32, #tpu.memory_space<hbm>> -> memref<8192xi32, #tpu.memory_space<hbm>>
    %dma_start3A_128 = arith.constant 8 : i32
    %dma_start3A_129 = tpu.memref_slice %arg9[%dma_start3A_128] : memref<8208xi32, #tpu.memory_space<vmem>> -> memref<8192xi32, #tpu.memory_space<vmem>>
    %dma_start3A_130 = tpu.memref_slice %arg3[%add3A_122] : memref<2097152xi32, #tpu.memory_space<hbm>> -> memref<8192xi32, #tpu.memory_space<hbm>>
    tpu.enqueue_dma source(%dma_start3A_130 : memref<8192xi32, #tpu.memory_space<hbm>>) target(%dma_start3A_129 : memref<8192xi32, #tpu.memory_space<vmem>>) target_semaphore(%arg12 : memref<!tpu.dma_semaphore, #tpu.memory_space<semaphore_mem>>)
    %dma_wait3A_131 = tpu.memref_slice %arg2[%add3A_101] : memref<2097152xi32, #tpu.memory_space<hbm>> -> memref<8192xi32, #tpu.memory_space<hbm>>
    %dma_wait3A_132 = tpu.memref_slice %arg2[%add3A_101] : memref<2097152xi32, #tpu.memory_space<hbm>> -> memref<8192xi32, #tpu.memory_space<hbm>>
    tpu.wait_dma2 semaphore(%arg13 : memref<!tpu.dma_semaphore, #tpu.memory_space<semaphore_mem>>) src(%dma_wait3A_132 : memref<8192xi32, #tpu.memory_space<hbm>>) dst(%arg8 : memref<8192xi32, #tpu.memory_space<vmem>>)
    %dma_wait3A_133 = arith.constant 8 : i32
    %dma_wait3A_134 = tpu.memref_slice %arg10[%dma_wait3A_133] : memref<8208xi32, #tpu.memory_space<vmem>> -> memref<8192xi32, #tpu.memory_space<vmem>>
    %dma_wait3A_135 = tpu.memref_slice %arg3[%add3A_101] : memref<2097152xi32, #tpu.memory_space<hbm>> -> memref<8192xi32, #tpu.memory_space<hbm>>
    %dma_wait3A_136 = arith.constant 8 : i32
    %dma_wait3A_137 = tpu.memref_slice %arg10[%dma_wait3A_136] : memref<8208xi32, #tpu.memory_space<vmem>> -> memref<8192xi32, #tpu.memory_space<vmem>>
    %dma_wait3A_138 = tpu.memref_slice %arg3[%add3A_101] : memref<2097152xi32, #tpu.memory_space<hbm>> -> memref<8192xi32, #tpu.memory_space<hbm>>
    tpu.wait_dma2 semaphore(%arg13 : memref<!tpu.dma_semaphore, #tpu.memory_space<semaphore_mem>>) src(%dma_wait3A_138 : memref<8192xi32, #tpu.memory_space<hbm>>) dst(%dma_wait3A_137 : memref<8192xi32, #tpu.memory_space<vmem>>)
    %parallel_loop3A_139 = arith.constant 0 : i32
    %parallel_loop3A_140 = arith.constant 512 : i32
    %parallel_loop3A_141 = arith.constant 1 : i32
    scf.for %parallel_loop3A_174 = %parallel_loop3A_139 to %parallel_loop3A_140 step %parallel_loop3A_141  : i32 {
      %parallel_loop3A_175 = arith.constant 16 : i32
      %parallel_loop3A_176 = arith.muli %parallel_loop3A_174, %parallel_loop3A_175 : i32
      %parallel_loop3A_177 = arith.index_cast %parallel_loop3A_176 : i32 to index
      %parallel_loop3A_178 = tpu.vector_load %arg8[%parallel_loop3A_177] {strides = array<i32>} : memref<8192xi32, #tpu.memory_space<vmem>>, vector<16xi32>,
      %parallel_loop3A_179 = tpu.vector_load_idx %arg6[%parallel_loop3A_178] : memref<119xf32, #tpu.memory_space<vmem>>[vector<16xi32>], vector<16xf32>,
      %parallel_loop3A_180 = arith.constant true
      %parallel_loop3A_181 = vector.broadcast %parallel_loop3A_180 : i1 to vector<16xi1>
      %parallel_loop3A_182 = tpu.scan <sum>, %parallel_loop3A_179 masked %parallel_loop3A_181 : vector<16xf32>, vector<16xi1> -> vector<16xf32>
      %parallel_loop3A_183 = arith.constant 8 : i32
      %parallel_loop3A_184 = arith.addi %parallel_loop3A_183, %parallel_loop3A_176 : i32
      %parallel_loop3A_185 = arith.index_cast %parallel_loop3A_184 : i32 to index
      %parallel_loop3A_186 = tpu.vector_load %arg10[%parallel_loop3A_185] {strides = array<i32>} : memref<8208xi32, #tpu.memory_space<vmem>>, vector<16xi32>,
      %parallel_loop3A_187 = arith.constant 9 : i32
      %parallel_loop3A_188 = arith.addi %parallel_loop3A_187, %parallel_loop3A_176 : i32
      %parallel_loop3A_189 = arith.index_cast %parallel_loop3A_188 : i32 to index
      %parallel_loop3A_190 = tpu.vector_load %arg10[%parallel_loop3A_189] {strides = array<i32>} : memref<8208xi32, #tpu.memory_space<vmem>>, vector<16xi32>,
      %parallel_loop3A_191 = arith.cmpi ne, %parallel_loop3A_186, %parallel_loop3A_190 : vector<16xi32>
      %parallel_loop3A_192 = arith.ori %parallel_loop3A_191, %eq3A_16 : vector<16xi1>
      %parallel_loop3A_193 = arith.constant dense<true> : vector<16xi1>
      %parallel_loop3A_194 = arith.xori %eq3A_16, %parallel_loop3A_193 : vector<16xi1>
      %parallel_loop3A_195 = arith.andi %parallel_loop3A_191, %parallel_loop3A_194 : vector<16xi1>
      tpu.vector_store_idx %arg11[%parallel_loop3A_186], %parallel_loop3A_182 masked %parallel_loop3A_192 {add = true} : memref<16384xf32, #tpu.memory_space<vmem>>[vector<16xi32>], vector<16xf32>, vector<16xi1>
      %parallel_loop3A_196 = arith.constant 0.000000e+00 : f32
      %parallel_loop3A_197 = vector.broadcast %parallel_loop3A_196 : f32 to vector<16xf32>
      %parallel_loop3A_198 = arith.subf %parallel_loop3A_197, %parallel_loop3A_182 : vector<16xf32>
      tpu.vector_store_idx %arg11[%parallel_loop3A_190], %parallel_loop3A_198 masked %parallel_loop3A_195 {add = true} : memref<16384xf32, #tpu.memory_space<vmem>>[vector<16xi32>], vector<16xf32>, vector<16xi1>
    } {sc.loop_unroll_factor = 8 : i64, sc.parallel_access}
    %add3A_142 = arith.constant 57344 : i32
    %add3A_143 = arith.addi %mul3A_2, %add3A_142 : i32
    %dma_start3A_144 = tpu.memref_slice %arg2[%add3A_143] : memref<2097152xi32, #tpu.memory_space<hbm>> -> memref<8192xi32, #tpu.memory_space<hbm>>
    %dma_start3A_145 = tpu.memref_slice %arg2[%add3A_143] : memref<2097152xi32, #tpu.memory_space<hbm>> -> memref<8192xi32, #tpu.memory_space<hbm>>
    tpu.enqueue_dma source(%dma_start3A_145 : memref<8192xi32, #tpu.memory_space<hbm>>) target(%arg8 : memref<8192xi32, #tpu.memory_space<vmem>>) target_semaphore(%arg13 : memref<!tpu.dma_semaphore, #tpu.memory_space<semaphore_mem>>)
    %dma_start3A_146 = arith.constant 8 : i32
    %dma_start3A_147 = tpu.memref_slice %arg10[%dma_start3A_146] : memref<8208xi32, #tpu.memory_space<vmem>> -> memref<8192xi32, #tpu.memory_space<vmem>>
    %dma_start3A_148 = tpu.memref_slice %arg3[%add3A_143] : memref<2097152xi32, #tpu.memory_space<hbm>> -> memref<8192xi32, #tpu.memory_space<hbm>>
    %dma_start3A_149 = arith.constant 8 : i32
    %dma_start3A_150 = tpu.memref_slice %arg10[%dma_start3A_149] : memref<8208xi32, #tpu.memory_space<vmem>> -> memref<8192xi32, #tpu.memory_space<vmem>>
    %dma_start3A_151 = tpu.memref_slice %arg3[%add3A_143] : memref<2097152xi32, #tpu.memory_space<hbm>> -> memref<8192xi32, #tpu.memory_space<hbm>>
    tpu.enqueue_dma source(%dma_start3A_151 : memref<8192xi32, #tpu.memory_space<hbm>>) target(%dma_start3A_150 : memref<8192xi32, #tpu.memory_space<vmem>>) target_semaphore(%arg13 : memref<!tpu.dma_semaphore, #tpu.memory_space<semaphore_mem>>)
    %dma_wait3A_152 = tpu.memref_slice %arg2[%add3A_122] : memref<2097152xi32, #tpu.memory_space<hbm>> -> memref<8192xi32, #tpu.memory_space<hbm>>
    %dma_wait3A_153 = tpu.memref_slice %arg2[%add3A_122] : memref<2097152xi32, #tpu.memory_space<hbm>> -> memref<8192xi32, #tpu.memory_space<hbm>>
    tpu.wait_dma2 semaphore(%arg12 : memref<!tpu.dma_semaphore, #tpu.memory_space<semaphore_mem>>) src(%dma_wait3A_153 : memref<8192xi32, #tpu.memory_space<hbm>>) dst(%arg7 : memref<8192xi32, #tpu.memory_space<vmem>>)
    %dma_wait3A_154 = arith.constant 8 : i32
    %dma_wait3A_155 = tpu.memref_slice %arg9[%dma_wait3A_154] : memref<8208xi32, #tpu.memory_space<vmem>> -> memref<8192xi32, #tpu.memory_space<vmem>>
    %dma_wait3A_156 = tpu.memref_slice %arg3[%add3A_122] : memref<2097152xi32, #tpu.memory_space<hbm>> -> memref<8192xi32, #tpu.memory_space<hbm>>
    %dma_wait3A_157 = arith.constant 8 : i32
    %dma_wait3A_158 = tpu.memref_slice %arg9[%dma_wait3A_157] : memref<8208xi32, #tpu.memory_space<vmem>> -> memref<8192xi32, #tpu.memory_space<vmem>>
    %dma_wait3A_159 = tpu.memref_slice %arg3[%add3A_122] : memref<2097152xi32, #tpu.memory_space<hbm>> -> memref<8192xi32, #tpu.memory_space<hbm>>
    tpu.wait_dma2 semaphore(%arg12 : memref<!tpu.dma_semaphore, #tpu.memory_space<semaphore_mem>>) src(%dma_wait3A_159 : memref<8192xi32, #tpu.memory_space<hbm>>) dst(%dma_wait3A_158 : memref<8192xi32, #tpu.memory_space<vmem>>)
    %parallel_loop3A_160 = arith.constant 0 : i32
    %parallel_loop3A_161 = arith.constant 512 : i32
    %parallel_loop3A_162 = arith.constant 1 : i32
    scf.for %parallel_loop3A_174 = %parallel_loop3A_160 to %parallel_loop3A_161 step %parallel_loop3A_162  : i32 {
      %parallel_loop3A_175 = arith.constant 16 : i32
      %parallel_loop3A_176 = arith.muli %parallel_loop3A_174, %parallel_loop3A_175 : i32
      %parallel_loop3A_177 = arith.index_cast %parallel_loop3A_176 : i32 to index
      %parallel_loop3A_178 = tpu.vector_load %arg7[%parallel_loop3A_177] {strides = array<i32>} : memref<8192xi32, #tpu.memory_space<vmem>>, vector<16xi32>,
      %parallel_loop3A_179 = tpu.vector_load_idx %arg6[%parallel_loop3A_178] : memref<119xf32, #tpu.memory_space<vmem>>[vector<16xi32>], vector<16xf32>,
      %parallel_loop3A_180 = arith.constant true
      %parallel_loop3A_181 = vector.broadcast %parallel_loop3A_180 : i1 to vector<16xi1>
      %parallel_loop3A_182 = tpu.scan <sum>, %parallel_loop3A_179 masked %parallel_loop3A_181 : vector<16xf32>, vector<16xi1> -> vector<16xf32>
      %parallel_loop3A_183 = arith.constant 8 : i32
      %parallel_loop3A_184 = arith.addi %parallel_loop3A_183, %parallel_loop3A_176 : i32
      %parallel_loop3A_185 = arith.index_cast %parallel_loop3A_184 : i32 to index
      %parallel_loop3A_186 = tpu.vector_load %arg9[%parallel_loop3A_185] {strides = array<i32>} : memref<8208xi32, #tpu.memory_space<vmem>>, vector<16xi32>,
      %parallel_loop3A_187 = arith.constant 9 : i32
      %parallel_loop3A_188 = arith.addi %parallel_loop3A_187, %parallel_loop3A_176 : i32
      %parallel_loop3A_189 = arith.index_cast %parallel_loop3A_188 : i32 to index
      %parallel_loop3A_190 = tpu.vector_load %arg9[%parallel_loop3A_189] {strides = array<i32>} : memref<8208xi32, #tpu.memory_space<vmem>>, vector<16xi32>,
      %parallel_loop3A_191 = arith.cmpi ne, %parallel_loop3A_186, %parallel_loop3A_190 : vector<16xi32>
      %parallel_loop3A_192 = arith.ori %parallel_loop3A_191, %eq3A_16 : vector<16xi1>
      %parallel_loop3A_193 = arith.constant dense<true> : vector<16xi1>
      %parallel_loop3A_194 = arith.xori %eq3A_16, %parallel_loop3A_193 : vector<16xi1>
      %parallel_loop3A_195 = arith.andi %parallel_loop3A_191, %parallel_loop3A_194 : vector<16xi1>
      tpu.vector_store_idx %arg11[%parallel_loop3A_186], %parallel_loop3A_182 masked %parallel_loop3A_192 {add = true} : memref<16384xf32, #tpu.memory_space<vmem>>[vector<16xi32>], vector<16xf32>, vector<16xi1>
      %parallel_loop3A_196 = arith.constant 0.000000e+00 : f32
      %parallel_loop3A_197 = vector.broadcast %parallel_loop3A_196 : f32 to vector<16xf32>
      %parallel_loop3A_198 = arith.subf %parallel_loop3A_197, %parallel_loop3A_182 : vector<16xf32>
      tpu.vector_store_idx %arg11[%parallel_loop3A_190], %parallel_loop3A_198 masked %parallel_loop3A_195 {add = true} : memref<16384xf32, #tpu.memory_space<vmem>>[vector<16xi32>], vector<16xf32>, vector<16xi1>
    } {sc.loop_unroll_factor = 8 : i64, sc.parallel_access}
    %dma_wait3A_163 = tpu.memref_slice %arg2[%add3A_143] : memref<2097152xi32, #tpu.memory_space<hbm>> -> memref<8192xi32, #tpu.memory_space<hbm>>
    %dma_wait3A_164 = tpu.memref_slice %arg2[%add3A_143] : memref<2097152xi32, #tpu.memory_space<hbm>> -> memref<8192xi32, #tpu.memory_space<hbm>>
    tpu.wait_dma2 semaphore(%arg13 : memref<!tpu.dma_semaphore, #tpu.memory_space<semaphore_mem>>) src(%dma_wait3A_164 : memref<8192xi32, #tpu.memory_space<hbm>>) dst(%arg8 : memref<8192xi32, #tpu.memory_space<vmem>>)
    %dma_wait3A_165 = arith.constant 8 : i32
    %dma_wait3A_166 = tpu.memref_slice %arg10[%dma_wait3A_165] : memref<8208xi32, #tpu.memory_space<vmem>> -> memref<8192xi32, #tpu.memory_space<vmem>>
    %dma_wait3A_167 = tpu.memref_slice %arg3[%add3A_143] : memref<2097152xi32, #tpu.memory_space<hbm>> -> memref<8192xi32, #tpu.memory_space<hbm>>
    %dma_wait3A_168 = arith.constant 8 : i32
    %dma_wait3A_169 = tpu.memref_slice %arg10[%dma_wait3A_168] : memref<8208xi32, #tpu.memory_space<vmem>> -> memref<8192xi32, #tpu.memory_space<vmem>>
    %dma_wait3A_170 = tpu.memref_slice %arg3[%add3A_143] : memref<2097152xi32, #tpu.memory_space<hbm>> -> memref<8192xi32, #tpu.memory_space<hbm>>
    tpu.wait_dma2 semaphore(%arg13 : memref<!tpu.dma_semaphore, #tpu.memory_space<semaphore_mem>>) src(%dma_wait3A_170 : memref<8192xi32, #tpu.memory_space<hbm>>) dst(%dma_wait3A_169 : memref<8192xi32, #tpu.memory_space<vmem>>)
    %parallel_loop3A_171 = arith.constant 0 : i32
    %parallel_loop3A_172 = arith.constant 512 : i32
    %parallel_loop3A_173 = arith.constant 1 : i32
    scf.for %parallel_loop3A_174 = %parallel_loop3A_171 to %parallel_loop3A_172 step %parallel_loop3A_173  : i32 {
      %parallel_loop3A_175 = arith.constant 16 : i32
      %parallel_loop3A_176 = arith.muli %parallel_loop3A_174, %parallel_loop3A_175 : i32
      %parallel_loop3A_177 = arith.index_cast %parallel_loop3A_176 : i32 to index
      %parallel_loop3A_178 = tpu.vector_load %arg8[%parallel_loop3A_177] {strides = array<i32>} : memref<8192xi32, #tpu.memory_space<vmem>>, vector<16xi32>,
      %parallel_loop3A_179 = tpu.vector_load_idx %arg6[%parallel_loop3A_178] : memref<119xf32, #tpu.memory_space<vmem>>[vector<16xi32>], vector<16xf32>,
      %parallel_loop3A_180 = arith.constant true
      %parallel_loop3A_181 = vector.broadcast %parallel_loop3A_180 : i1 to vector<16xi1>
      %parallel_loop3A_182 = tpu.scan <sum>, %parallel_loop3A_179 masked %parallel_loop3A_181 : vector<16xf32>, vector<16xi1> -> vector<16xf32>
      %parallel_loop3A_183 = arith.constant 8 : i32
      %parallel_loop3A_184 = arith.addi %parallel_loop3A_183, %parallel_loop3A_176 : i32
      %parallel_loop3A_185 = arith.index_cast %parallel_loop3A_184 : i32 to index
      %parallel_loop3A_186 = tpu.vector_load %arg10[%parallel_loop3A_185] {strides = array<i32>} : memref<8208xi32, #tpu.memory_space<vmem>>, vector<16xi32>,
      %parallel_loop3A_187 = arith.constant 9 : i32
      %parallel_loop3A_188 = arith.addi %parallel_loop3A_187, %parallel_loop3A_176 : i32
      %parallel_loop3A_189 = arith.index_cast %parallel_loop3A_188 : i32 to index
      %parallel_loop3A_190 = tpu.vector_load %arg10[%parallel_loop3A_189] {strides = array<i32>} : memref<8208xi32, #tpu.memory_space<vmem>>, vector<16xi32>,
      %parallel_loop3A_191 = arith.cmpi ne, %parallel_loop3A_186, %parallel_loop3A_190 : vector<16xi32>
      %parallel_loop3A_192 = arith.ori %parallel_loop3A_191, %eq3A_16 : vector<16xi1>
      %parallel_loop3A_193 = arith.constant dense<true> : vector<16xi1>
      %parallel_loop3A_194 = arith.xori %eq3A_16, %parallel_loop3A_193 : vector<16xi1>
      %parallel_loop3A_195 = arith.andi %parallel_loop3A_191, %parallel_loop3A_194 : vector<16xi1>
      tpu.vector_store_idx %arg11[%parallel_loop3A_186], %parallel_loop3A_182 masked %parallel_loop3A_192 {add = true} : memref<16384xf32, #tpu.memory_space<vmem>>[vector<16xi32>], vector<16xf32>, vector<16xi1>
      %parallel_loop3A_196 = arith.constant 0.000000e+00 : f32
      %parallel_loop3A_197 = vector.broadcast %parallel_loop3A_196 : f32 to vector<16xf32>
      %parallel_loop3A_198 = arith.subf %parallel_loop3A_197, %parallel_loop3A_182 : vector<16xf32>
      tpu.vector_store_idx %arg11[%parallel_loop3A_190], %parallel_loop3A_198 masked %parallel_loop3A_195 {add = true} : memref<16384xf32, #tpu.memory_space<vmem>>[vector<16xi32>], vector<16xf32>, vector<16xi1>
    } {sc.loop_unroll_factor = 8 : i64, sc.parallel_access}
    "tpu.region"() ({
      %run_scoped3A = tpu.sem_alloc : memref<!tpu.dma_semaphore, #tpu.memory_space<semaphore_mem>>
      %dma_start3A_174 = arith.constant 0 : i32
      %dma_start3A_175 = tpu.memref_slice %arg5[%add3A, %dma_start3A_174] : memref<32x16384xf32, #tpu.memory_space<hbm>> -> memref<1x16384xf32, #tpu.memory_space<hbm>>
      %dma_start3A_176 = tpu.memref_squeeze %dma_start3A_175 : memref<1x16384xf32, #tpu.memory_space<hbm>> -> memref<16384xf32, #tpu.memory_space<hbm>>
      %dma_start3A_177 = arith.constant 0 : i32
      %dma_start3A_178 = tpu.memref_slice %arg5[%add3A, %dma_start3A_177] : memref<32x16384xf32, #tpu.memory_space<hbm>> -> memref<1x16384xf32, #tpu.memory_space<hbm>>
      %dma_start3A_179 = tpu.memref_squeeze %dma_start3A_178 : memref<1x16384xf32, #tpu.memory_space<hbm>> -> memref<16384xf32, #tpu.memory_space<hbm>>
      tpu.enqueue_dma source(%arg11 : memref<16384xf32, #tpu.memory_space<vmem>>) target(%dma_start3A_179 : memref<16384xf32, #tpu.memory_space<hbm>>) target_semaphore(%run_scoped3A : memref<!tpu.dma_semaphore, #tpu.memory_space<semaphore_mem>>)
      %dma_wait3A_180 = arith.constant 0 : i32
      %dma_wait3A_181 = tpu.memref_slice %arg5[%add3A, %dma_wait3A_180] : memref<32x16384xf32, #tpu.memory_space<hbm>> -> memref<1x16384xf32, #tpu.memory_space<hbm>>
      %dma_wait3A_182 = tpu.memref_squeeze %dma_wait3A_181 : memref<1x16384xf32, #tpu.memory_space<hbm>> -> memref<16384xf32, #tpu.memory_space<hbm>>
      %dma_wait3A_183 = arith.constant 0 : i32
      %dma_wait3A_184 = tpu.memref_slice %arg5[%add3A, %dma_wait3A_183] : memref<32x16384xf32, #tpu.memory_space<hbm>> -> memref<1x16384xf32, #tpu.memory_space<hbm>>
      %dma_wait3A_185 = tpu.memref_squeeze %dma_wait3A_184 : memref<1x16384xf32, #tpu.memory_space<hbm>> -> memref<16384xf32, #tpu.memory_space<hbm>>
      tpu.wait_dma2 semaphore(%run_scoped3A : memref<!tpu.dma_semaphore, #tpu.memory_space<semaphore_mem>>) src(%arg11 : memref<16384xf32, #tpu.memory_space<vmem>>) dst(%dma_wait3A_185 : memref<16384xf32, #tpu.memory_space<hbm>>)
      tpu.yield
    }) : () -> ()
    return
  }
}

module attributes {stable_mosaic.version = 14 : i64} {
  func.func @body(%arg0: memref<128x128xf32, #tpu.memory_space<vmem>>, %arg1: memref<32x128x128xf32, #tpu.memory_space<vmem>>, %arg2: memref<128x128xf32, #tpu.memory_space<vmem>>) attributes {dimension_semantics = [], scalar_prefetch = 0 : i64, scratch_operands = 0 : i64, tpu.core_type = #tpu.core_type<tc>} {
    %get3A = arith.constant 0 : index
    %get3A_0 = arith.constant 0 : index
    %get3A_1 = vector.load %arg0[%get3A, %get3A_0] : memref<128x128xf32, #tpu.memory_space<vmem>>, vector<128x128xf32>
    %get3A_2 = arith.constant 0 : index
    %get3A_3 = arith.constant 0 : index
    %get3A_4 = arith.constant 0 : index
    %get3A_5 = vector.load %arg1[%get3A_2, %get3A_3, %get3A_4] : memref<32x128x128xf32, #tpu.memory_space<vmem>>, vector<32x128x128xf32>
    %reduce_sum3A = arith.constant dense<0.000000e+00> : vector<128x128xf32>
    %reduce_sum3A_6 = vector.multi_reduction <add>, %get3A_5, %reduce_sum3A [0] : vector<32x128x128xf32> to vector<128x128xf32>
    %add3A = arith.addf %get3A_1, %reduce_sum3A_6 : vector<128x128xf32>
    %swap3A = arith.constant 0 : index
    %swap3A_7 = arith.constant 0 : index
    %swap3A_8 = vector.load %arg2[%swap3A, %swap3A_7] : memref<128x128xf32, #tpu.memory_space<vmem>>, vector<128x128xf32>
    tpu.vector_store %arg2[%swap3A, %swap3A_7], %add3A {strides = array<i32>} : memref<128x128xf32, #tpu.memory_space<vmem>>, vector<128x128xf32>,
    return
  }
}

</mosaic_0001>

<sc_bundles>
// kernel: kernel.4.cloned.1.call-start
scs
__scs_entry_jumppad:
0x0: {  	(pc) =	sbr.rel $0x88, $3  }
0x1: {  	(tag) =	ssettag $0x0;
	lr =	simm.s32 $0x1  }
0x2: {  	[smem:$0x3F9D] =	sst lr;
	_ =	strace $0xD0000000  }
0x3: {  	_ = 	snop  }
0x4: {  	_ = 	snop  }
0x5: {  	_ = 	snop  }
0x6: {  	_ = 	snop  }
0x7: {  	_ = 	snop  }
__scs_overlays_trampoline_lowered:
0x8: {  	[smem:$0x3FAC] =	sst s0  }
0x9: {  	[smem:$0x3FAD] =	sst s1  }
0xa: {  	[smem:$0x3FAE] =	sst s2  }
0xb: {  	[smem:$0x3FAF] =	sst s3  }
0xc: {  	[smem:$0x3FB0] =	sst s4  }
0xd: {  	[smem:$0x3FB1] =	sst s5  }
0xe: {  	[smem:$0x3FB2] =	sst s6  }
0xf: {  	[smem:$0x3FB3] =	sst s7  }
0x10: {  	[smem:$0x3FB4] =	sst s8  }
0x11: {  	[smem:$0x3FB5] =	sst s9;
	s0 =	simm.s32 @!p0 $0x0  }
0x12: {  	s1 =	sld [smem:$0x3F9B];
	s0 =	simm.s32 @p0 $0x1  }
0x13: {  	[smem:$0x3FB6] =	sst s0;
	s0 =	simm.s32 @!p1 $0x0  }
0x14: {  	s2 =	sld [smem:$0x3F9A];
	s0 =	simm.s32 @p1 $0x1  }
0x15: {  	[smem:$0x3FB7] =	sst s0;
	s0 =	simm.s32 @!p2 $0x0  }
0x16: {  	s3 =	sld [smem:$0x3FDB];
	s0 =	simm.s32 @p2 $0x1  }
0x17: {  	s4 =	simm.s32 $0x1BF5;
	[smem:$0x3FB9] =	sst s0  }
0x18: {  	s0 =	sld [smem:$0x3F9C];
	_ =	swait.ge [sflag:s4], $0x0  }
0x19: {  	s7 =	sld [smem:$0x3F9D]  }
0x1a: {  	s8 =	sadd.s32 $0xFFFFE003, lr  }
0x1b: {  	s9 =	sadd.s32 $0xFFFFFEF7, lr;
	s5 =	simm.s32 $0xFFFFFFFF;
	p2 =	slt.u32 s8, $0xFFFFF086  }
0x1c: {  	p1 =	slt.u32 s9, $0xF7A;
	s5 =	simm.s32 @!p2 $0x0  }
0x1d: {  	s5 =	simm.s32 @p1 $0x1;
	p0 =	seq.s32 s7, s2  }
0x1e: {  	s7 =	smul.u32 @!p0 $0xF7A, s2;
	p2 =	seq.s32 @!p0 s5, $0x0  }
0x1f: {  	s9 =	smul.u32 $0xF7A, s1;
	s8 =	simm.s32 @!p0 $0x1BF5;
	p2 =	por !p2, p0  }
0x20: {  	[sflag:s8] =	ssyncset.s32 @!p0 $0xFFFFF086;
	s6 =	sadd.s32 @!p0 s3, s7;
	s7 =	simm.s32 @!p0 $0x108  }
0x21: {  	s3 =	sadd.s32 s3, s9;
	s6 =	sadd.s32 @!p0 $0x88, s6;
	s7 =	simm.s32 @p2 $0x1082  }
0x22: {  	[simem:s7], [sflag:s8] =	dma.local @!p0 [hbm:s6], $0xF7A  }
0x23: {  	s9 =	sor.u32 $0xD0000000, s2;
	s6 =	simm.s32 $0x108;
	_ =	swait.ge @!p0 [sflag:s8], $0x0  }
0x24: {  	s3 =	sadd.s32 $0x88, s3;
	s6 =	simm.s32 @!p1 $0x1082;
	[sflag:s4] =	ssyncset.s32 $0xFFFFF086  }
0x25: {  	[simem:s6], [sflag:s4] =	dma.local [hbm:s3], $0xF7A  }
0x26: {  	[smem:$0x3F9D] =	sst s1;
	(tag) =	ssettag s2;
	_ =	strace s9  }
0x27: {  	s1 =	sld [smem:$0x3FAD]  }
0x28: {  	s2 =	sld [smem:$0x3FAE]  }
0x29: {  	s4 =	sld [smem:$0x3FB0]  }
0x2a: {  	p0 =	seq.s32 s5, $0x0;
	s5 =	sld [smem:$0x3FB1]  }
0x2b: {  	s6 =	sld [smem:$0x3FB2]  }
0x2c: {  	s7 =	sld [smem:$0x3FB3]  }
0x2d: {  	s3 =	simm.s32 $0x108;
	s8 =	sld [smem:$0x3FB4]  }
0x2e: {  	s3 =	simm.s32 @!p0 $0x1082;
	s9 =	sld [smem:$0x3FB5]  }
0x2f: {  	lr =	sadd.s32 s0, s3;
	s0 =	sld [smem:$0x3FAC]  }
0x30: {  	s3 =	sld [smem:$0x3FAF]  }
0x31: {  	[smem:$0x3FB8] =	sst s10  }
0x32: {  	s10 =	sld [smem:$0x3FB6];
	_ =	sdelay $0x3  }
0x33: {  	p0 =	seq.s32 s10, $0x1;
	s10 =	sld [smem:$0x3FB8];
	_ =	sdelay $0x3  }
0x34: {  	[smem:$0x3FB8] =	sst s10  }
0x35: {  	s10 =	sld [smem:$0x3FB7];
	_ =	sdelay $0x3  }
0x36: {  	p1 =	seq.s32 s10, $0x1;
	s10 =	sld [smem:$0x3FB8];
	_ =	sdelay $0x3  }
0x37: {  	[smem:$0x3FB8] =	sst s10  }
0x38: {  	s10 =	sld [smem:$0x3FB9]  }
0x39: {  	_ = 	snop;
	(pc) =	sbr.ind lr, $3  }
0x3a: {  	_ = 	snop  }
0x3b: {  	_ = 	snop  }
0x3c: {  	p2 =	seq.s32 s10, $0x1;
	s10 =	sld [smem:$0x3FB8]  }
0x3d: {  	_ =	shalt  }
0x3e: {  	_ =	shalt  }
0x3f: {  	_ =	shalt  }
0x40: {  	_ =	shalt  }
0x41: {  	_ =	shalt  }
0x42: {  	_ =	shalt  }
0x43: {  	_ =	shalt  }
0x44: {  	_ =	shalt  }
0x45: {  	_ =	shalt  }
0x46: {  	_ =	shalt  }
0x47: {  	_ =	shalt  }
0x48: {  	_ =	shalt  }
0x49: {  	_ =	shalt  }
0x4a: {  	_ =	shalt  }
0x4b: {  	_ =	shalt  }
0x4c: {  	_ =	shalt  }
0x4d: {  	_ =	shalt  }
0x4e: {  	_ =	shalt  }
0x4f: {  	_ =	shalt  }
0x50: {  	_ =	shalt  }
0x51: {  	_ =	shalt  }
0x52: {  	_ =	shalt  }
0x53: {  	_ =	shalt  }
0x54: {  	_ =	shalt  }
0x55: {  	_ =	shalt  }
0x56: {  	_ =	shalt  }
0x57: {  	_ =	shalt  }
0x58: {  	_ =	shalt  }
0x59: {  	_ =	shalt  }
0x5a: {  	_ =	shalt  }
0x5b: {  	_ =	shalt  }
0x5c: {  	_ =	shalt  }
0x5d: {  	_ =	shalt  }
0x5e: {  	_ =	shalt  }
0x5f: {  	_ =	shalt  }
0x60: {  	_ =	shalt  }
0x61: {  	_ =	shalt  }
0x62: {  	_ =	shalt  }
0x63: {  	_ =	shalt  }
0x64: {  	_ =	shalt  }
0x65: {  	_ =	shalt  }
0x66: {  	_ =	shalt  }
0x67: {  	_ =	shalt  }
0x68: {  	_ =	shalt  }
0x69: {  	_ =	shalt  }
0x6a: {  	_ =	shalt  }
0x6b: {  	_ =	shalt  }
0x6c: {  	_ =	shalt  }
0x6d: {  	_ =	shalt  }
0x6e: {  	_ =	shalt  }
0x6f: {  	_ =	shalt  }
0x70: {  	_ =	shalt  }
0x71: {  	_ =	shalt  }
0x72: {  	_ =	shalt  }
0x73: {  	_ =	shalt  }
0x74: {  	_ =	shalt  }
0x75: {  	_ =	shalt  }
0x76: {  	_ =	shalt  }
0x77: {  	_ =	shalt  }
0x78: {  	_ =	shalt  }
0x79: {  	_ =	shalt  }
0x7a: {  	_ =	shalt  }
0x7b: {  	_ =	shalt  }
0x7c: {  	_ =	shalt  }
0x7d: {  	_ =	shalt  }
0x7e: {  	_ =	shalt  }
0x7f: {  	_ =	shalt  }
0x80: {  	_ =	shalt  }
0x81: {  	_ =	shalt  }
0x82: {  	_ =	shalt  }
0x83: {  	_ =	shalt  }
0x84: {  	_ =	shalt  }
0x85: {  	_ =	shalt  }
0x86: {  	_ =	shalt  }
0x87: {  	_ =	shalt  }
.Lfunc_end0:
.L_simem_size_0:
called_computation_lowered:
.L_overlay_start_0:
0x88: {  	s2 =	sld [smem:$0x3FD9]  }
0x89: {  	s3 =	sld [smem:$0x3FFE];
	_ =	sdelay $0x1  }
0x8a: {  	s1 =	srdreg.scid  }
0x8b: {  	s0 =	sand.u32 $0x1, s1  }
0x8c: {  	s17 =	sshll.u32 s0, $0xA;
	s2 =	sadd.s32 s3, s2  }
0x8d: {  	s2 =	sadd.s32 s2, s17  }
0x8e: {  	[smem:$0x3FC4] =	sst s2  }
0x8f: {  	_ = 	snop  }
0x90: {  	s2 =	sld [smem:$0x3FC8]  }
0x91: {  	s18 =	sld [smem:$0x3FC7]  }
0x92: {  	s4 =	sld [smem:$0x3FC6];
	(tm) =	ssettm $0x1  }
0x93: {  	s5 =	sld [smem:$0x3FFB];
	_ =	sdelay $0x3  }
0x94: {  	_ =	strace s5  }
0x95: {  	s5 =	sld [smem:$0x3FFC];
	_ =	sdelay $0x3  }
0x96: {  	_ =	strace s5  }
0x97: {  	s5 =	sld [smem:$0x3FFD];
	_ =	sdelay $0x3  }
0x98: {  	_ =	strace s5  }
0x99: {  	_ =	strace $0x8FFFFFFF  }
0x9a: {  	s19 =	sld [smem:$0x3FDB];
	_ =	sdelay $0x1  }
0x9b: {  	s6 =	simm.s32 $_scs_section_size  }
0x9c: {  	s7 =	simm.s32 $_size__tile_overlayer_lowered;
	s8 =	simm.s32 $_tile_overlayer_lowered  }
0x9d: {  	s22 =	simm.s32 $0x1BFF;
	s21 =	sshll.u32 s8, $0x1;
	s5 =	sadd.s32 s6, s19  }
0x9e: {  	s9 =	simm.s32 $0x0;
	s20 =	sshll.u32 s7, $0x1;
	s7 =	sadd.s32 s21, s5  }
0x9f: {  	[timem:s9], [sflag:s22] =	dma.local [hbm:s7], s20  }
0xa0: {  	_ =	swait.ge [sflag:s22], s20  }
0xa1: {  	s6 =	ssub.s32 $0x0, s20;
	[sflag:s22] =	ssyncset.done $0x0  }
0xa2: {  	[sflag:s22] =	ssyncadd.s32 s6;
	_ =	sdelay $0x1  }
0xa3: {  	s23 =	simm.s32 $0x1B8B  }
0xa4: {  	_ =	swait.ge [sflag:s23], $0x1  }
0xa5: {  	[sflag:s23] =	ssyncset.done $0x0  }
0xa6: {  	s25 =	simm.s32 $0x1B8E;
	s24 =	sld [smem:$0x3FFE];
	[sflag:s23] =	ssyncadd.s32 $0xFFFFFFFF  }
0xa7: {  	s26 =	simm.s32 $execute0_lowered;
	[smem:$0x3FD2] =	sst s25  }
0xa8: {  	s7 =	sshll.u32 s26, $0x1;
	_ =	strace $0x80000046;
	[dreg:$0x1] =	wrdreg $0xFFFFFFFF  }
0xa9: {  	s28 =	simm.s32 $_size_execute0_lowered;
	s5 =	sadd.s32 s5, s7;
	[dreg:$0x0] =	wrdreg $0x0  }
0xaa: {  	s7 =	sshll.u32 s28, $0x1;
	[dreg:$0x2] =	wrdreg s5  }
0xab: {  	[dreg:$0x3] =	wrdreg s7  }
0xac: {  	[dreg:$0x4] =	wrdreg $0xC0  }
0xad: {  	_ =	task [dreg:s9], $0x5FFFF  }
0xae: {  	[dreg:$0x1] =	wrdreg $0xFFFFFFFF  }
0xaf: {  	[dreg:$0x0] =	wrdreg $0x60  }
0xb0: {  	[dreg:$0x2] =	wrdreg s2  }
0xb1: {  	[dreg:$0x3] =	wrdreg s18  }
0xb2: {  	[dreg:$0x4] =	wrdreg s4  }
0xb3: {  	[dreg:$0x5] =	wrdreg s24  }
0xb4: {  	[dreg:$0x6] =	wrdreg $0x9  }
0xb5: {  	_ =	task.clear_ibuf [dreg:s9], $0x7FFFF;
	_ =	strace $0x90000046  }
0xb6: {  	s29 =	simm.s32 $0x9;
	_ =	strace $0x80000048  }
0xb7: {  	_ =	swait.ge [sflag:s29], $0x1  }
0xb8: {  	[sflag:s29] =	ssyncadd.s32 $0xFFFFFFFF  }
0xb9: {  	_ =	strace $0x90000048  }
0xba: {  	_ =	sfence  }
0xbb: {  	s30 =	sld [smem:$0x0];
	_ =	sdelay $0x2  }
0xbc: {  	s31 =	sshll.u32 s1, $0xD;
	s1 =	sshrl.u32 s1, $0x2  }
0xbd: {  	s3 =	sand.u32 $0x4000, s31;
	s1 =	sadd.s32 s1, s30  }
0xbe: {  	s0 =	sor.u32 s3, s0;
	s1 =	sshll.u32 s1, $0x11  }
0xbf: {  	s0 =	sor.u32 s1, s0  }
0xc0: {  	s0 =	sadd.s32 $0x8F2B, s0  }
0xc1: {  	[sflag:s0] =	ssyncadd.remote.s32 $0x1  }
0xc2: {  	_ =	sfence.sel $0xFFFF  }
0xc3: {  	[dreg:$0x0] =	wrdreg $0xFFFFFFFF;
	(pc) =	sbr.abs _section_cstart, $3  }
0xc4: {  	[dreg:$0x1] =	wrdreg $0xFFFFFFFF  }
0xc5: {  	_ =	task.clear_ibuf [dreg:s9], $0x2FFFF;
	_ =	strace $0x9FFFFFFF  }
0xc6: {  	(tm) =	ssettm $0x7FFFFFFF  }
0xc7: {  	_ =	shalt  }
tec
execute0_lowered:
.L_overlay_start_1:
0x0: {  	(tag) =	ssettag $0x1  }
0x1: {  	s0 =	rddreg [dreg:$0x0]  }
0x2: {  	s1 =	rddreg [dreg:$0x1]  }
0x3: {  	s2 =	rddreg [dreg:$0x3];
	s3 =	simm.s32 $0x0  }
0x4: {  	s6 =	stileid.u32;
	s4 =	srdreg.scid;
	s22 =	simm.s32 $0x3  }
0x5: {  	s23 =	simm.s32 $0x80;
	s28 =	simm.s32 $0x1;
	s29 =	simm.s32 $0x8180  }
0x6: {  	s30 =	simm.s32 $0x2;
	[smem:$0x7FF] =	sst s3;
	s5 =	sshll.u32 s6, $0xC  }
0x7: {  	s4 =	sand.u32 $0x1, s4;
	s6 =	sshll.u32 s6, $0x1;
	_ =	strace $0x80000047  }
0x8: {  	s5 =	sand.u32 $0xC000, s5;
	s7 =	ssub.s32 $0x2, s4;
	s17 =	sor.u32 s4, s6  }
0x9: {  	s2 =	sadd.s32 s5, s2;
	s24 =	sshrl.u32 s7, $0x1;
	s18 =	sshll.u32 s17, $0xD  }
0xa: {  	s20 =	sshll.u32 s17, $0x4;
	s21 =	ssub.s32 s7, s24;
	s4 =	sadd.s32 s0, s18  }
0xb: {  	s25 =	sor.u32 $0x400, s18;
	s5 =	sadd.s32 s1, s18;
	s9 =	sor.u32 $0x800, s18  }
0xc: {  	s11 =	sor.u32 $0xC00, s18;
	s13 =	sor.u32 $0x1000, s18;
	s15 =	sor.u32 $0x1400, s18  }
0xd: {  	s19 =	sor.u32 $0x1800, s18;
	s26 =	sor.u32 $0x1C00, s18;
	s20 =	sand.u32 $0x70, s20  }
0xe: {  	s24 =	simm.s32 $0x4088;
	s6 =	sadd.s32 s0, s25;
	s7 =	sadd.s32 s1, s25  }
0xf: {  	s8 =	sadd.s32 s0, s9;
	s9 =	sadd.s32 s1, s9;
	s10 =	sadd.s32 s0, s11  }
0x10: {  	s11 =	sadd.s32 s1, s11;
	s12 =	sadd.s32 s0, s13;
	s13 =	sadd.s32 s1, s13  }
0x11: {  	s14 =	sadd.s32 s0, s15;
	s15 =	sadd.s32 s1, s15;
	s16 =	sadd.s32 s0, s19  }
0x12: {  	s17 =	sadd.s32 s1, s19;
	s18 =	sadd.s32 s0, s26;
	s19 =	sadd.s32 s1, s26  }
0x13: {  	s31 =	sadd.s32 s20, s2;
	s21 =	smax.u32 s21, $0x1;
	s25 =	simm.s32 $0x2080  }
0x14: {  	v0 =	vimm.f32 $0.0e+00;
	vm0 =	vcmask $0x3F3C;
	vm1 =	vmmov $0x7fff;
	s26 =	simm.s32 $0x6108;
	s0 =	simm.s32 $0x0;
	s20 =	sadd.s32 $0x600, s31  }
.LBB2_1:
0x15: {  	s1 =	rddreg [dreg:$0x2]  }
0x16: {  	[tilespmem:s3], [sflag:$0x3] =	stream.linear.gather [hbm4b:s1+s3], $0x80, $0x38;
	[tilespmem:$0xC180] =	vst v63  }
0x17: {  	_ =	swait.ge [sflag:s22], $0x80  }
0x18: {  	[sflag:s22] =	ssyncset.done $0x0  }
0x19: {  	[sflag:s22] =	ssyncadd.s32 $0xFFFFFF80  }
0x1a: {  	[tilespmem:s23], [sflag:$0x1] =	stream.linear.gather [hbm4b:s4+s3], $0x2000, $0x38;
	[tilespmem:$0xC180] =	vst v63  }
0x1b: {  	s1 =	simm.s32 $0x81C0  }
0x1c: {  	[tilespmem:s24], [sflag:$0x1] =	stream.linear.gather [hbm4b:s5+s3], $0x2000, $0x38;
	[tilespmem:$0xC180] =	vst v63  }
0x1d: {  	[tilespmem:s1+$0xFFFFFFC0] =	vst v0  }
0x1e: {  	[tilespmem:s1+$0x30] =	vst v0  }
0x1f: {  	[tilespmem:s1+$0x20] =	vst v0  }
0x20: {  	[tilespmem:s1+$0x10] =	vst v0  }
0x21: {  	[tilespmem:s1+$0x0] =	vst v0  }
0x22: {  	[tilespmem:s1+$0xFFFFFFF0] =	vst v0  }
0x23: {  	s2 =	simm.s32 $0x0;
	[tilespmem:s1+$0xFFFFFFE0] =	vst v0  }
.LBB2_2:
0x24: {  	s2 =	sadd.s32 $0x8, s2;
	[tilespmem:s1+$0xFFFFFFD0] =	vst v0;
	s1 =	sadd.s32 $0x80, s1  }
0x25: {  	[tilespmem:s1+$0xFFFFFFC0] =	vst v0;
	p0 =	slt.u32 s2, $0x3F8  }
0x26: {  	[tilespmem:s1+$0x30] =	vst v0  }
.Ltmp0:
0x27: {  	[tilespmem:s1+$0x20] =	vst v0;
	(pc) =	sbr.rel @p0 .LBB2_2-.Ltmp0, $4  }
0x28: {  	[tilespmem:s1+$0x10] =	vst v0  }
0x29: {  	[tilespmem:s1+$0x0] =	vst v0  }
0x2a: {  	[tilespmem:s1+$0xFFFFFFF0] =	vst v0  }
0x2b: {  	[tilespmem:s1+$0xFFFFFFE0] =	vst v0  }
0x2c: {  	[tilespmem:s1+$0xFFFFFFD0] =	vst v0  }
0x2d: {  	[tilespmem:s25], [sflag:$0x2] =	stream.linear.gather [hbm4b:s6+s3], $0x2000, $0x38;
	[tilespmem:$0xC180] =	vst v63  }
0x2e: {  	_ = 	snop  }
0x2f: {  	[tilespmem:s26], [sflag:$0x2] =	stream.linear.gather [hbm4b:s7+s3], $0x2000, $0x38;
	[tilespmem:$0xC180] =	vst v63  }
0x30: {  	_ =	swait.ge [sflag:s28], $0x2000  }
0x31: {  	[sflag:s28] =	ssyncset.done $0x0  }
0x32: {  	[sflag:s28] =	ssyncadd.s32 $0xFFFFE000  }
0x33: {  	_ =	swait.ge [sflag:s28], $0x2000  }
0x34: {  	[sflag:s28] =	ssyncset.done $0x0  }
0x35: {  	s31 =	simm.s32 $0x40C8;
	[sflag:s28] =	ssyncadd.s32 $0xFFFFE000  }
0x36: {  	v1 =	vld [tilespmem:s31+$0xFFFFFFD0]  }
0x37: {  	v8 =	vld [tilespmem:s31+$0xFFFFFFC1]  }
0x38: {  	s2 =	simm.s32 $0xC0;
	v9 =	vld [tilespmem:s31+$0xFFFFFFC0]  }
0x39: {  	v2 =	vld [tilespmem:s2+$0xFFFFFFC0]  }
0x3a: {  	v3 =	vld [tilespmem:s2+$0x30]  }
0x3b: {  	v4 =	vld [tilespmem:s2+$0x20]  }
0x3c: {  	v5 =	vld [tilespmem:s2+$0x10]  }
0x3d: {  	v6 =	vld [tilespmem:s2+$0x0]  }
0x3e: {  	v7 =	vld [tilespmem:s2+$0xFFFFFFF0]  }
0x3f: {  	v10 =	vld [tilespmem:s2+$0xFFFFFFE0]  }
0x40: {  	v12 =	vld [tilespmem:s2+$0xFFFFFFD0]  }
0x41: {  	v16 =	vld [tilespmem:s31+$0x31]  }
0x42: {  	v2 =	vld.idx.msk [tilespmem:v2+s3+$0x0], $0xffff  }
0x43: {  	v17 =	vld [tilespmem:s31+$0x30]  }
0x44: {  	v18 =	vld [tilespmem:s31+$0x20]  }
0x45: {  	v3 =	vld.idx.msk [tilespmem:v3+s3+$0x0], $0xffff  }
0x46: {  	v11 =	vld.idx.msk [tilespmem:v4+s3+$0x0], $0xffff  }
0x47: {  	v5 =	vld.idx.msk [tilespmem:v5+s3+$0x0], $0xffff;
	(xrf2) =	vadd.scan.msk.f32 $0xffff, v2  }
0x48: {  	v13 =	vld.idx.msk [tilespmem:v6+s3+$0x0], $0xffff  }
0x49: {  	v14 =	vld.idx.msk [tilespmem:v7+s3+$0x0], $0xffff  }
0x4a: {  	v15 =	vld.idx.msk [tilespmem:v10+s3+$0x0], $0xffff  }
0x4b: {  	vm2 =	vne.s32 v9, v8;
	v4 =	vld [tilespmem:s31+$0x21];
	(xrf2) =	vadd.scan.msk.f32 $0xffff, v3  }
0x4c: {  	vm3 =	vmor vm2, vm0;
	v7 =	vld [tilespmem:s31+$0x11]  }
0x4d: {  	v10 =	vld [tilespmem:s31+$0x10];
	(xrf2) =	vadd.scan.msk.f32 $0xffff, v11  }
0x4e: {  	vm2 =	vmand vm2, vm1;
	v6 =	vld [tilespmem:s31+$0x1]  }
0x4f: {  	vm4 =	vne.s32 v17, v16;
	v2 =	vld [tilespmem:s31+$0xFFFFFFD1]  }
0x50: {  	vm5 =	vmor vm4, vm0;
	v3 =	vld [tilespmem:s31+$0xFFFFFFE1];
	(xrf2) =	vadd.scan.msk.f32 $0xffff, v5  }
0x51: {  	vm6 =	vne.s32 v18, v4;
	v5 =	vld [tilespmem:s31+$0xFFFFFFE0];
	v11, _, _ =	vpop (xrf2)  }
0x52: {  	vm7 =	vmor vm6, vm0;
	[tilespmem:v9+s29+$0x0] =	vst.idx.add.f32.msk vm3, v11;
	v9 =	vsub.f32 $0.0e+00, v11  }
0x53: {  	vm4 =	vmand vm4, vm1;
	(xrf2) =	vadd.scan.msk.f32 $0xffff, v13;
	v11 =	vld [tilespmem:s31+$0x0]  }
0x54: {  	[tilespmem:v8+s29+$0x0] =	vst.idx.add.f32.msk vm2, v9  }
0x55: {  	vm8 =	vne.s32 v10, v7;
	v8, _, _ =	vpop (xrf2);
	v9 =	vld.idx.msk [tilespmem:v12+s3+$0x0], $0xffff  }
0x56: {  	(xrf2) =	vadd.scan.msk.f32 $0xffff, v15;
	[tilespmem:v17+s29+$0x0] =	vst.idx.add.f32.msk vm5, v8;
	vm5 =	vmor vm8, vm0  }
0x57: {  	v12 =	vsub.f32 $0.0e+00, v8;
	v13, _, _ =	vpop (xrf2);
	v8 =	vld [tilespmem:s31+$0xFFFFFFF1]  }
0x58: {  	vm6 =	vmand vm6, vm1;
	[tilespmem:v18+s29+$0x0] =	vst.idx.add.f32.msk vm7, v13;
	vm7 =	vmand vm8, vm1  }
0x59: {  	(xrf2) =	vadd.scan.msk.f32 $0xffff, v14;
	[tilespmem:v16+s29+$0x0] =	vst.idx.add.f32.msk vm4, v12;
	vm4 =	vne.s32 v5, v3;
	vm9 =	vne.s32 v11, v6  }
0x5a: {  	s1 =	simm.s32 $0x0;
	vm2 =	vne.s32 v1, v2;
	v14, _, _ =	vpop (xrf2);
	v12 =	vld [tilespmem:s31+$0xFFFFFFF0];
	s31 =	simm.s32 $0x4148;
	vm3 =	vmor vm4, vm0;
	vm8 =	vmor vm9, vm0  }
.LBB2_4:
0x5b: {  	v15 =	vld [tilespmem:s31+$0xFFFFFFD0];
	s1 =	sadd.s32 $0x8, s1;
	s2 =	sadd.s32 $0x80, s2  }
0x5c: {  	vm9 =	vmand vm9, vm1;
	p0 =	slt.u32 s1, $0x1F8;
	[tilespmem:v10+s29+$0x0] =	vst.idx.add.f32.msk vm5, v14;
	v10 =	vsub.f32 $0.0e+00, v14;
	(xrf2) =	vadd.scan.msk.f32 $0xffff, v9  }
0x5d: {  	v9 =	vsub.f32 $0.0e+00, v13;
	v14 =	vld [tilespmem:s31+$0xFFFFFFC1];
	v13, _, _ =	vpop (xrf2)  }
0x5e: {  	[tilespmem:v7+s29+$0x0] =	vst.idx.add.f32.msk vm7, v10  }
0x5f: {  	vm4 =	vmand vm4, vm1;
	vm5 =	vne.s32 v12, v8;
	[tilespmem:v4+s29+$0x0] =	vst.idx.add.f32.msk vm6, v9  }
0x60: {  	v4 =	vsub.f32 $0.0e+00, v13;
	vm6 =	vmor vm5, vm0;
	[tilespmem:v11+s29+$0x0] =	vst.idx.add.f32.msk vm8, v13;
	v7, _, _ =	vpop (xrf2)  }
0x61: {  	vm7 =	vmor vm2, vm0;
	[tilespmem:v5+s29+$0x0] =	vst.idx.add.f32.msk vm3, v7  }
0x62: {  	vm5 =	vmand vm5, vm1;
	vm3 =	vmand vm2, vm1;
	[tilespmem:v6+s29+$0x0] =	vst.idx.add.f32.msk vm9, v4  }
0x63: {  	v7 =	vsub.f32 $0.0e+00, v7;
	v11 =	vld [tilespmem:s31+$0xFFFFFFC0];
	v5, _, _ =	vpop (xrf2)  }
0x64: {  	v6 =	vld [tilespmem:s2+$0xFFFFFFC0]  }
0x65: {  	[tilespmem:v3+s29+$0x0] =	vst.idx.add.f32.msk vm4, v7;
	v3 =	vsub.f32 $0.0e+00, v5  }
0x66: {  	[tilespmem:v12+s29+$0x0] =	vst.idx.add.f32.msk vm6, v5;
	v4, _, _ =	vpop (xrf2)  }
0x67: {  	[tilespmem:v1+s29+$0x0] =	vst.idx.add.f32.msk vm7, v4;
	v4 =	vsub.f32 $0.0e+00, v4;
	v1 =	vmov v15  }
0x68: {  	vm2 =	vne.s32 v11, v14;
	[tilespmem:v8+s29+$0x0] =	vst.idx.add.f32.msk vm5, v3  }
0x69: {  	[tilespmem:v2+s29+$0x0] =	vst.idx.add.f32.msk vm3, v4  }
0x6a: {  	v2 =	vld [tilespmem:s2+$0x30]  }
0x6b: {  	v3 =	vld [tilespmem:s2+$0x20]  }
0x6c: {  	v4 =	vld [tilespmem:s2+$0x10]  }
0x6d: {  	v5 =	vld [tilespmem:s2+$0x0]  }
0x6e: {  	v7 =	vld [tilespmem:s2+$0xFFFFFFF0]  }
0x6f: {  	v8 =	vld [tilespmem:s2+$0xFFFFFFE0]  }
0x70: {  	v9 =	vld [tilespmem:s2+$0xFFFFFFD0]  }
0x71: {  	v6 =	vld.idx.msk [tilespmem:v6+s3+$0x0], $0xffff  }
0x72: {  	v2 =	vld.idx.msk [tilespmem:v2+s3+$0x0], $0xffff  }
0x73: {  	v3 =	vld.idx.msk [tilespmem:v3+s3+$0x0], $0xffff  }
0x74: {  	v12 =	vld.idx.msk [tilespmem:v4+s3+$0x0], $0xffff  }
0x75: {  	v13 =	vld.idx.msk [tilespmem:v5+s3+$0x0], $0xffff  }
0x76: {  	v15 =	vld.idx.msk [tilespmem:v7+s3+$0x0], $0xffff  }
0x77: {  	v8 =	vld.idx.msk [tilespmem:v8+s3+$0x0], $0xffff;
	(xrf2) =	vadd.scan.msk.f32 $0xffff, v6  }
0x78: {  	v9 =	vld.idx.msk [tilespmem:v9+s3+$0x0], $0xffff  }
0x79: {  	v16 =	vld [tilespmem:s31+$0x31]  }
0x7a: {  	v17 =	vld [tilespmem:s31+$0x30];
	(xrf2) =	vadd.scan.msk.f32 $0xffff, v2  }
0x7b: {  	v2 =	vld [tilespmem:s31+$0xFFFFFFD1]  }
0x7c: {  	v4 =	vld [tilespmem:s31+$0x21]  }
0x7d: {  	vm3 =	vmor vm2, vm0;
	v18 =	vld [tilespmem:s31+$0x20];
	(xrf2) =	vadd.scan.msk.f32 $0xffff, v3  }
0x7e: {  	v3 =	vld [tilespmem:s31+$0xFFFFFFE1]  }
0x7f: {  	vm4 =	vmand vm2, vm1;
	v7 =	vld [tilespmem:s31+$0x11];
	vm5 =	vne.s32 v17, v16  }
0x80: {  	vm2 =	vne.s32 v1, v2;
	v10 =	vld [tilespmem:s31+$0x10];
	vm6 =	vmor vm5, vm0;
	(xrf2) =	vadd.scan.msk.f32 $0xffff, v12  }
0x81: {  	vm7 =	vmand vm5, vm1;
	v5 =	vld [tilespmem:s31+$0xFFFFFFE0];
	v12, _, _ =	vpop (xrf2)  }
0x82: {  	v6 =	vld [tilespmem:s31+$0x1];
	vm8 =	vne.s32 v18, v4  }
0x83: {  	[tilespmem:v11+s29+$0x0] =	vst.idx.add.f32.msk vm3, v12;
	v12 =	vsub.f32 $0.0e+00, v12;
	vm10 =	vmor vm8, vm0;
	(xrf2) =	vadd.scan.msk.f32 $0xffff, v13  }
0x84: {  	v11 =	vld [tilespmem:s31+$0x0];
	v13, _, _ =	vpop (xrf2)  }
0x85: {  	[tilespmem:v14+s29+$0x0] =	vst.idx.add.f32.msk vm4, v12;
	vm9 =	vne.s32 v10, v7;
	v12 =	vsub.f32 $0.0e+00, v13  }
.Ltmp1:
0x86: {  	vm4 =	vne.s32 v5, v3;
	vm5 =	vmor vm9, vm0;
	[tilespmem:v17+s29+$0x0] =	vst.idx.add.f32.msk vm6, v13;
	(xrf2) =	vadd.scan.msk.f32 $0xffff, v8;
	(pc) =	sbr.rel @p0 .LBB2_4-.Ltmp1, $4  }
0x87: {  	vm3 =	vmor vm4, vm0;
	[tilespmem:v16+s29+$0x0] =	vst.idx.add.f32.msk vm7, v12;
	v13, _, _ =	vpop (xrf2)  }
0x88: {  	vm7 =	vmand vm9, vm1;
	v8 =	vld [tilespmem:s31+$0xFFFFFFF1]  }
0x89: {  	vm6 =	vmand vm8, vm1;
	vm9 =	vne.s32 v11, v6;
	[tilespmem:v18+s29+$0x0] =	vst.idx.add.f32.msk vm10, v13;
	(xrf2) =	vadd.scan.msk.f32 $0xffff, v15  }
0x8a: {  	v12 =	vld [tilespmem:s31+$0xFFFFFFF0];
	vm8 =	vmor vm9, vm0;
	s31 =	sadd.s32 $0x80, s31;
	v14, _, _ =	vpop (xrf2)  }
0x8b: {  	_ =	sdelay $0x1  }
0x8c: {  	(xrf2) =	vadd.scan.msk.f32 $0xffff, v9;
	_ =	sdelay $0x1  }
0x8d: {  	vm9 =	vmand vm9, vm1;
	v9 =	vsub.f32 $0.0e+00, v14  }
0x8e: {  	[tilespmem:v10+s29+$0x0] =	vst.idx.add.f32.msk vm5, v14;
	v10 =	vsub.f32 $0.0e+00, v13;
	vm4 =	vmand vm4, vm1;
	vm5 =	vne.s32 v12, v8  }
0x8f: {  	[tilespmem:v7+s29+$0x0] =	vst.idx.add.f32.msk vm7, v9;
	v7, _, _ =	vpop (xrf2);
	vm7 =	vmor vm5, vm0  }
0x90: {  	[tilespmem:v4+s29+$0x0] =	vst.idx.add.f32.msk vm6, v10;
	vm6 =	vmor vm2, vm0;
	v4 =	vsub.f32 $0.0e+00, v7  }
0x91: {  	[tilespmem:v11+s29+$0x0] =	vst.idx.add.f32.msk vm8, v7;
	v7, _, _ =	vpop (xrf2);
	vm5 =	vmand vm5, vm1  }
0x92: {  	vm2 =	vmand vm2, vm1;
	[tilespmem:v5+s29+$0x0] =	vst.idx.add.f32.msk vm3, v7;
	v5 =	vsub.f32 $0.0e+00, v7  }
0x93: {  	[tilespmem:v6+s29+$0x0] =	vst.idx.add.f32.msk vm9, v4  }
0x94: {  	v4, _, _ =	vpop (xrf2);
	[tilespmem:v3+s29+$0x0] =	vst.idx.add.f32.msk vm4, v5  }
0x95: {  	v3 =	vsub.f32 $0.0e+00, v4;
	[tilespmem:v12+s29+$0x0] =	vst.idx.add.f32.msk vm7, v4;
	v4, _, _ =	vpop (xrf2)  }
0x96: {  	[tilespmem:v1+s29+$0x0] =	vst.idx.add.f32.msk vm6, v4;
	v1 =	vsub.f32 $0.0e+00, v4  }
0x97: {  	[tilespmem:v8+s29+$0x0] =	vst.idx.add.f32.msk vm5, v3  }
0x98: {  	[tilespmem:v2+s29+$0x0] =	vst.idx.add.f32.msk vm2, v1  }
0x99: {  	[tilespmem:s23], [sflag:$0x1] =	stream.linear.gather [hbm4b:s8+s3], $0x2000, $0x38;
	[tilespmem:$0xC180] =	vst v63  }
0x9a: {  	_ = 	snop  }
0x9b: {  	[tilespmem:s24], [sflag:$0x1] =	stream.linear.gather [hbm4b:s9+s3], $0x2000, $0x38;
	[tilespmem:$0xC180] =	vst v63  }
0x9c: {  	_ =	swait.ge [sflag:s30], $0x2000  }
0x9d: {  	[sflag:s30] =	ssyncset.done $0x0  }
0x9e: {  	[sflag:s30] =	ssyncadd.s32 $0xFFFFE000  }
0x9f: {  	_ =	swait.ge [sflag:s30], $0x2000  }
0xa0: {  	[sflag:s30] =	ssyncset.done $0x0  }
0xa1: {  	s31 =	simm.s32 $0x6148;
	[sflag:s30] =	ssyncadd.s32 $0xFFFFE000  }
0xa2: {  	v1 =	vld [tilespmem:s31+$0xFFFFFFD0]  }
0xa3: {  	v8 =	vld [tilespmem:s31+$0xFFFFFFC1]  }
0xa4: {  	s2 =	simm.s32 $0x20C0;
	v9 =	vld [tilespmem:s31+$0xFFFFFFC0]  }
0xa5: {  	v2 =	vld [tilespmem:s2+$0xFFFFFFC0]  }
0xa6: {  	v3 =	vld [tilespmem:s2+$0x30]  }
0xa7: {  	v4 =	vld [tilespmem:s2+$0x20]  }
0xa8: {  	v5 =	vld [tilespmem:s2+$0x10]  }
0xa9: {  	v6 =	vld [tilespmem:s2+$0x0]  }
0xaa: {  	v7 =	vld [tilespmem:s2+$0xFFFFFFF0]  }
0xab: {  	v10 =	vld [tilespmem:s2+$0xFFFFFFE0]  }
0xac: {  	v12 =	vld [tilespmem:s2+$0xFFFFFFD0]  }
0xad: {  	v16 =	vld [tilespmem:s31+$0x31]  }
0xae: {  	v2 =	vld.idx.msk [tilespmem:v2+s3+$0x0], $0xffff  }
0xaf: {  	v17 =	vld [tilespmem:s31+$0x30]  }
0xb0: {  	v18 =	vld [tilespmem:s31+$0x20]  }
0xb1: {  	v3 =	vld.idx.msk [tilespmem:v3+s3+$0x0], $0xffff  }
0xb2: {  	v11 =	vld.idx.msk [tilespmem:v4+s3+$0x0], $0xffff  }
0xb3: {  	v5 =	vld.idx.msk [tilespmem:v5+s3+$0x0], $0xffff;
	(xrf2) =	vadd.scan.msk.f32 $0xffff, v2  }
0xb4: {  	v13 =	vld.idx.msk [tilespmem:v6+s3+$0x0], $0xffff  }
0xb5: {  	v14 =	vld.idx.msk [tilespmem:v7+s3+$0x0], $0xffff  }
0xb6: {  	v15 =	vld.idx.msk [tilespmem:v10+s3+$0x0], $0xffff  }
0xb7: {  	vm2 =	vne.s32 v9, v8;
	v4 =	vld [tilespmem:s31+$0x21];
	(xrf2) =	vadd.scan.msk.f32 $0xffff, v3  }
0xb8: {  	vm3 =	vmor vm2, vm0;
	v7 =	vld [tilespmem:s31+$0x11]  }
0xb9: {  	v10 =	vld [tilespmem:s31+$0x10];
	(xrf2) =	vadd.scan.msk.f32 $0xffff, v11  }
0xba: {  	vm2 =	vmand vm2, vm1;
	v6 =	vld [tilespmem:s31+$0x1]  }
0xbb: {  	vm4 =	vne.s32 v17, v16;
	v2 =	vld [tilespmem:s31+$0xFFFFFFD1]  }
0xbc: {  	vm5 =	vmor vm4, vm0;
	v3 =	vld [tilespmem:s31+$0xFFFFFFE1];
	(xrf2) =	vadd.scan.msk.f32 $0xffff, v5  }
0xbd: {  	vm6 =	vne.s32 v18, v4;
	v5 =	vld [tilespmem:s31+$0xFFFFFFE0];
	v11, _, _ =	vpop (xrf2)  }
0xbe: {  	vm7 =	vmor vm6, vm0;
	[tilespmem:v9+s29+$0x0] =	vst.idx.add.f32.msk vm3, v11;
	v9 =	vsub.f32 $0.0e+00, v11  }
0xbf: {  	vm4 =	vmand vm4, vm1;
	(xrf2) =	vadd.scan.msk.f32 $0xffff, v13;
	v11 =	vld [tilespmem:s31+$0x0]  }
0xc0: {  	[tilespmem:v8+s29+$0x0] =	vst.idx.add.f32.msk vm2, v9  }
0xc1: {  	vm8 =	vne.s32 v10, v7;
	v8, _, _ =	vpop (xrf2);
	v9 =	vld.idx.msk [tilespmem:v12+s3+$0x0], $0xffff  }
0xc2: {  	(xrf2) =	vadd.scan.msk.f32 $0xffff, v15;
	[tilespmem:v17+s29+$0x0] =	vst.idx.add.f32.msk vm5, v8;
	vm5 =	vmor vm8, vm0  }
0xc3: {  	v12 =	vsub.f32 $0.0e+00, v8;
	v13, _, _ =	vpop (xrf2);
	v8 =	vld [tilespmem:s31+$0xFFFFFFF1]  }
0xc4: {  	vm6 =	vmand vm6, vm1;
	[tilespmem:v18+s29+$0x0] =	vst.idx.add.f32.msk vm7, v13;
	vm7 =	vmand vm8, vm1  }
0xc5: {  	(xrf2) =	vadd.scan.msk.f32 $0xffff, v14;
	[tilespmem:v16+s29+$0x0] =	vst.idx.add.f32.msk vm4, v12;
	vm4 =	vne.s32 v5, v3;
	vm9 =	vne.s32 v11, v6  }
0xc6: {  	s1 =	simm.s32 $0x0;
	vm2 =	vne.s32 v1, v2;
	v14, _, _ =	vpop (xrf2);
	v12 =	vld [tilespmem:s31+$0xFFFFFFF0];
	s31 =	simm.s32 $0x61C8;
	vm3 =	vmor vm4, vm0;
	vm8 =	vmor vm9, vm0  }
.LBB2_6:
0xc7: {  	v15 =	vld [tilespmem:s31+$0xFFFFFFD0];
	s1 =	sadd.s32 $0x8, s1;
	s2 =	sadd.s32 $0x80, s2  }
0xc8: {  	vm9 =	vmand vm9, vm1;
	p0 =	slt.u32 s1, $0x1F8;
	[tilespmem:v10+s29+$0x0] =	vst.idx.add.f32.msk vm5, v14;
	v10 =	vsub.f32 $0.0e+00, v14;
	(xrf2) =	vadd.scan.msk.f32 $0xffff, v9  }
0xc9: {  	v9 =	vsub.f32 $0.0e+00, v13;
	v14 =	vld [tilespmem:s31+$0xFFFFFFC1];
	v13, _, _ =	vpop (xrf2)  }
0xca: {  	[tilespmem:v7+s29+$0x0] =	vst.idx.add.f32.msk vm7, v10  }
0xcb: {  	vm4 =	vmand vm4, vm1;
	vm5 =	vne.s32 v12, v8;
	[tilespmem:v4+s29+$0x0] =	vst.idx.add.f32.msk vm6, v9  }
0xcc: {  	v4 =	vsub.f32 $0.0e+00, v13;
	vm6 =	vmor vm5, vm0;
	[tilespmem:v11+s29+$0x0] =	vst.idx.add.f32.msk vm8, v13;
	v7, _, _ =	vpop (xrf2)  }
0xcd: {  	vm7 =	vmor vm2, vm0;
	[tilespmem:v5+s29+$0x0] =	vst.idx.add.f32.msk vm3, v7  }
0xce: {  	vm5 =	vmand vm5, vm1;
	vm3 =	vmand vm2, vm1;
	[tilespmem:v6+s29+$0x0] =	vst.idx.add.f32.msk vm9, v4  }
0xcf: {  	v7 =	vsub.f32 $0.0e+00, v7;
	v11 =	vld [tilespmem:s31+$0xFFFFFFC0];
	v5, _, _ =	vpop (xrf2)  }
0xd0: {  	v6 =	vld [tilespmem:s2+$0xFFFFFFC0]  }
0xd1: {  	[tilespmem:v3+s29+$0x0] =	vst.idx.add.f32.msk vm4, v7;
	v3 =	vsub.f32 $0.0e+00, v5  }
0xd2: {  	[tilespmem:v12+s29+$0x0] =	vst.idx.add.f32.msk vm6, v5;
	v4, _, _ =	vpop (xrf2)  }
0xd3: {  	[tilespmem:v1+s29+$0x0] =	vst.idx.add.f32.msk vm7, v4;
	v4 =	vsub.f32 $0.0e+00, v4;
	v1 =	vmov v15  }
0xd4: {  	vm2 =	vne.s32 v11, v14;
	[tilespmem:v8+s29+$0x0] =	vst.idx.add.f32.msk vm5, v3  }
0xd5: {  	[tilespmem:v2+s29+$0x0] =	vst.idx.add.f32.msk vm3, v4  }
0xd6: {  	v2 =	vld [tilespmem:s2+$0x30]  }
0xd7: {  	v3 =	vld [tilespmem:s2+$0x20]  }
0xd8: {  	v4 =	vld [tilespmem:s2+$0x10]  }
0xd9: {  	v5 =	vld [tilespmem:s2+$0x0]  }
0xda: {  	v7 =	vld [tilespmem:s2+$0xFFFFFFF0]  }
0xdb: {  	v8 =	vld [tilespmem:s2+$0xFFFFFFE0]  }
0xdc: {  	v9 =	vld [tilespmem:s2+$0xFFFFFFD0]  }
0xdd: {  	v6 =	vld.idx.msk [tilespmem:v6+s3+$0x0], $0xffff  }
0xde: {  	v2 =	vld.idx.msk [tilespmem:v2+s3+$0x0], $0xffff  }
0xdf: {  	v3 =	vld.idx.msk [tilespmem:v3+s3+$0x0], $0xffff  }
0xe0: {  	v12 =	vld.idx.msk [tilespmem:v4+s3+$0x0], $0xffff  }
0xe1: {  	v13 =	vld.idx.msk [tilespmem:v5+s3+$0x0], $0xffff  }
0xe2: {  	v15 =	vld.idx.msk [tilespmem:v7+s3+$0x0], $0xffff  }
0xe3: {  	v8 =	vld.idx.msk [tilespmem:v8+s3+$0x0], $0xffff;
	(xrf2) =	vadd.scan.msk.f32 $0xffff, v6  }
0xe4: {  	v9 =	vld.idx.msk [tilespmem:v9+s3+$0x0], $0xffff  }
0xe5: {  	v16 =	vld [tilespmem:s31+$0x31]  }
0xe6: {  	v17 =	vld [tilespmem:s31+$0x30];
	(xrf2) =	vadd.scan.msk.f32 $0xffff, v2  }
0xe7: {  	v2 =	vld [tilespmem:s31+$0xFFFFFFD1]  }
0xe8: {  	v4 =	vld [tilespmem:s31+$0x21]  }
0xe9: {  	vm3 =	vmor vm2, vm0;
	v18 =	vld [tilespmem:s31+$0x20];
	(xrf2) =	vadd.scan.msk.f32 $0xffff, v3  }
0xea: {  	v3 =	vld [tilespmem:s31+$0xFFFFFFE1]  }
0xeb: {  	vm4 =	vmand vm2, vm1;
	v7 =	vld [tilespmem:s31+$0x11];
	vm5 =	vne.s32 v17, v16  }
0xec: {  	vm2 =	vne.s32 v1, v2;
	v10 =	vld [tilespmem:s31+$0x10];
	vm6 =	vmor vm5, vm0;
	(xrf2) =	vadd.scan.msk.f32 $0xffff, v12  }
0xed: {  	vm7 =	vmand vm5, vm1;
	v5 =	vld [tilespmem:s31+$0xFFFFFFE0];
	v12, _, _ =	vpop (xrf2)  }
0xee: {  	v6 =	vld [tilespmem:s31+$0x1];
	vm8 =	vne.s32 v18, v4  }
0xef: {  	[tilespmem:v11+s29+$0x0] =	vst.idx.add.f32.msk vm3, v12;
	v12 =	vsub.f32 $0.0e+00, v12;
	vm10 =	vmor vm8, vm0;
	(xrf2) =	vadd.scan.msk.f32 $0xffff, v13  }
0xf0: {  	v11 =	vld [tilespmem:s31+$0x0];
	v13, _, _ =	vpop (xrf2)  }
0xf1: {  	[tilespmem:v14+s29+$0x0] =	vst.idx.add.f32.msk vm4, v12;
	vm9 =	vne.s32 v10, v7;
	v12 =	vsub.f32 $0.0e+00, v13  }
.Ltmp2:
0xf2: {  	vm4 =	vne.s32 v5, v3;
	vm5 =	vmor vm9, vm0;
	[tilespmem:v17+s29+$0x0] =	vst.idx.add.f32.msk vm6, v13;
	(xrf2) =	vadd.scan.msk.f32 $0xffff, v8;
	(pc) =	sbr.rel @p0 .LBB2_6-.Ltmp2, $4  }
0xf3: {  	vm3 =	vmor vm4, vm0;
	[tilespmem:v16+s29+$0x0] =	vst.idx.add.f32.msk vm7, v12;
	v13, _, _ =	vpop (xrf2)  }
0xf4: {  	vm7 =	vmand vm9, vm1;
	v8 =	vld [tilespmem:s31+$0xFFFFFFF1]  }
0xf5: {  	vm6 =	vmand vm8, vm1;
	vm9 =	vne.s32 v11, v6;
	[tilespmem:v18+s29+$0x0] =	vst.idx.add.f32.msk vm10, v13;
	(xrf2) =	vadd.scan.msk.f32 $0xffff, v15  }
0xf6: {  	v12 =	vld [tilespmem:s31+$0xFFFFFFF0];
	vm8 =	vmor vm9, vm0;
	s31 =	sadd.s32 $0x80, s31;
	v14, _, _ =	vpop (xrf2)  }
0xf7: {  	_ =	sdelay $0x1  }
0xf8: {  	(xrf2) =	vadd.scan.msk.f32 $0xffff, v9;
	_ =	sdelay $0x1  }
0xf9: {  	vm9 =	vmand vm9, vm1;
	v9 =	vsub.f32 $0.0e+00, v14  }
0xfa: {  	[tilespmem:v10+s29+$0x0] =	vst.idx.add.f32.msk vm5, v14;
	v10 =	vsub.f32 $0.0e+00, v13;
	vm4 =	vmand vm4, vm1;
	vm5 =	vne.s32 v12, v8  }
0xfb: {  	[tilespmem:v7+s29+$0x0] =	vst.idx.add.f32.msk vm7, v9;
	v7, _, _ =	vpop (xrf2);
	vm7 =	vmor vm5, vm0  }
0xfc: {  	[tilespmem:v4+s29+$0x0] =	vst.idx.add.f32.msk vm6, v10;
	vm6 =	vmor vm2, vm0;
	v4 =	vsub.f32 $0.0e+00, v7  }
0xfd: {  	[tilespmem:v11+s29+$0x0] =	vst.idx.add.f32.msk vm8, v7;
	v7, _, _ =	vpop (xrf2);
	vm5 =	vmand vm5, vm1  }
0xfe: {  	vm2 =	vmand vm2, vm1;
	[tilespmem:v5+s29+$0x0] =	vst.idx.add.f32.msk vm3, v7;
	v5 =	vsub.f32 $0.0e+00, v7  }
0xff: {  	[tilespmem:v6+s29+$0x0] =	vst.idx.add.f32.msk vm9, v4  }
0x100: {  	v4, _, _ =	vpop (xrf2);
	[tilespmem:v3+s29+$0x0] =	vst.idx.add.f32.msk vm4, v5  }
0x101: {  	v3 =	vsub.f32 $0.0e+00, v4;
	[tilespmem:v12+s29+$0x0] =	vst.idx.add.f32.msk vm7, v4;
	v4, _, _ =	vpop (xrf2)  }
0x102: {  	[tilespmem:v1+s29+$0x0] =	vst.idx.add.f32.msk vm6, v4;
	v1 =	vsub.f32 $0.0e+00, v4  }
0x103: {  	[tilespmem:v8+s29+$0x0] =	vst.idx.add.f32.msk vm5, v3  }
0x104: {  	[tilespmem:v2+s29+$0x0] =	vst.idx.add.f32.msk vm2, v1  }
0x105: {  	[tilespmem:s25], [sflag:$0x2] =	stream.linear.gather [hbm4b:s10+s3], $0x2000, $0x38;
	[tilespmem:$0xC180] =	vst v63  }
0x106: {  	_ = 	snop  }
0x107: {  	[tilespmem:s26], [sflag:$0x2] =	stream.linear.gather [hbm4b:s11+s3], $0x2000, $0x38;
	[tilespmem:$0xC180] =	vst v63  }
0x108: {  	_ =	swait.ge [sflag:s28], $0x2000  }
0x109: {  	[sflag:s28] =	ssyncset.done $0x0  }
0x10a: {  	[sflag:s28] =	ssyncadd.s32 $0xFFFFE000  }
0x10b: {  	_ =	swait.ge [sflag:s28], $0x2000  }
0x10c: {  	[sflag:s28] =	ssyncset.done $0x0  }
0x10d: {  	s31 =	simm.s32 $0x40C8;
	[sflag:s28] =	ssyncadd.s32 $0xFFFFE000  }
0x10e: {  	v1 =	vld [tilespmem:s31+$0xFFFFFFD0]  }
0x10f: {  	v8 =	vld [tilespmem:s31+$0xFFFFFFC1]  }
0x110: {  	s2 =	simm.s32 $0xC0;
	v9 =	vld [tilespmem:s31+$0xFFFFFFC0]  }
0x111: {  	v2 =	vld [tilespmem:s2+$0xFFFFFFC0]  }
0x112: {  	v3 =	vld [tilespmem:s2+$0x30]  }
0x113: {  	v4 =	vld [tilespmem:s2+$0x20]  }
0x114: {  	v5 =	vld [tilespmem:s2+$0x10]  }
0x115: {  	v6 =	vld [tilespmem:s2+$0x0]  }
0x116: {  	v7 =	vld [tilespmem:s2+$0xFFFFFFF0]  }
0x117: {  	v10 =	vld [tilespmem:s2+$0xFFFFFFE0]  }
0x118: {  	v12 =	vld [tilespmem:s2+$0xFFFFFFD0]  }
0x119: {  	v16 =	vld [tilespmem:s31+$0x31]  }
0x11a: {  	v2 =	vld.idx.msk [tilespmem:v2+s3+$0x0], $0xffff  }
0x11b: {  	v17 =	vld [tilespmem:s31+$0x30]  }
0x11c: {  	v18 =	vld [tilespmem:s31+$0x20]  }
0x11d: {  	v3 =	vld.idx.msk [tilespmem:v3+s3+$0x0], $0xffff  }
0x11e: {  	v11 =	vld.idx.msk [tilespmem:v4+s3+$0x0], $0xffff  }
0x11f: {  	v5 =	vld.idx.msk [tilespmem:v5+s3+$0x0], $0xffff;
	(xrf2) =	vadd.scan.msk.f32 $0xffff, v2  }
0x120: {  	v13 =	vld.idx.msk [tilespmem:v6+s3+$0x0], $0xffff  }
0x121: {  	v14 =	vld.idx.msk [tilespmem:v7+s3+$0x0], $0xffff  }
0x122: {  	v15 =	vld.idx.msk [tilespmem:v10+s3+$0x0], $0xffff  }
0x123: {  	vm2 =	vne.s32 v9, v8;
	v4 =	vld [tilespmem:s31+$0x21];
	(xrf2) =	vadd.scan.msk.f32 $0xffff, v3  }
0x124: {  	vm3 =	vmor vm2, vm0;
	v7 =	vld [tilespmem:s31+$0x11]  }
0x125: {  	v10 =	vld [tilespmem:s31+$0x10];
	(xrf2) =	vadd.scan.msk.f32 $0xffff, v11  }
0x126: {  	vm2 =	vmand vm2, vm1;
	v6 =	vld [tilespmem:s31+$0x1]  }
0x127: {  	vm4 =	vne.s32 v17, v16;
	v2 =	vld [tilespmem:s31+$0xFFFFFFD1]  }
0x128: {  	vm5 =	vmor vm4, vm0;
	v3 =	vld [tilespmem:s31+$0xFFFFFFE1];
	(xrf2) =	vadd.scan.msk.f32 $0xffff, v5  }
0x129: {  	vm6 =	vne.s32 v18, v4;
	v5 =	vld [tilespmem:s31+$0xFFFFFFE0];
	v11, _, _ =	vpop (xrf2)  }
0x12a: {  	vm7 =	vmor vm6, vm0;
	[tilespmem:v9+s29+$0x0] =	vst.idx.add.f32.msk vm3, v11;
	v9 =	vsub.f32 $0.0e+00, v11  }
0x12b: {  	vm4 =	vmand vm4, vm1;
	(xrf2) =	vadd.scan.msk.f32 $0xffff, v13;
	v11 =	vld [tilespmem:s31+$0x0]  }
0x12c: {  	[tilespmem:v8+s29+$0x0] =	vst.idx.add.f32.msk vm2, v9  }
0x12d: {  	vm8 =	vne.s32 v10, v7;
	v8, _, _ =	vpop (xrf2);
	v9 =	vld.idx.msk [tilespmem:v12+s3+$0x0], $0xffff  }
0x12e: {  	(xrf2) =	vadd.scan.msk.f32 $0xffff, v15;
	[tilespmem:v17+s29+$0x0] =	vst.idx.add.f32.msk vm5, v8;
	vm5 =	vmor vm8, vm0  }
0x12f: {  	v12 =	vsub.f32 $0.0e+00, v8;
	v13, _, _ =	vpop (xrf2);
	v8 =	vld [tilespmem:s31+$0xFFFFFFF1]  }
0x130: {  	vm6 =	vmand vm6, vm1;
	[tilespmem:v18+s29+$0x0] =	vst.idx.add.f32.msk vm7, v13;
	vm7 =	vmand vm8, vm1  }
0x131: {  	(xrf2) =	vadd.scan.msk.f32 $0xffff, v14;
	[tilespmem:v16+s29+$0x0] =	vst.idx.add.f32.msk vm4, v12;
	vm4 =	vne.s32 v5, v3;
	vm9 =	vne.s32 v11, v6  }
0x132: {  	s1 =	simm.s32 $0x0;
	vm2 =	vne.s32 v1, v2;
	v14, _, _ =	vpop (xrf2);
	v12 =	vld [tilespmem:s31+$0xFFFFFFF0];
	s31 =	simm.s32 $0x4148;
	vm3 =	vmor vm4, vm0;
	vm8 =	vmor vm9, vm0  }
.LBB2_8:
0x133: {  	v15 =	vld [tilespmem:s31+$0xFFFFFFD0];
	s1 =	sadd.s32 $0x8, s1;
	s2 =	sadd.s32 $0x80, s2  }
0x134: {  	vm9 =	vmand vm9, vm1;
	p0 =	slt.u32 s1, $0x1F8;
	[tilespmem:v10+s29+$0x0] =	vst.idx.add.f32.msk vm5, v14;
	v10 =	vsub.f32 $0.0e+00, v14;
	(xrf2) =	vadd.scan.msk.f32 $0xffff, v9  }
0x135: {  	v9 =	vsub.f32 $0.0e+00, v13;
	v14 =	vld [tilespmem:s31+$0xFFFFFFC1];
	v13, _, _ =	vpop (xrf2)  }
0x136: {  	[tilespmem:v7+s29+$0x0] =	vst.idx.add.f32.msk vm7, v10  }
0x137: {  	vm4 =	vmand vm4, vm1;
	vm5 =	vne.s32 v12, v8;
	[tilespmem:v4+s29+$0x0] =	vst.idx.add.f32.msk vm6, v9  }
0x138: {  	v4 =	vsub.f32 $0.0e+00, v13;
	vm6 =	vmor vm5, vm0;
	[tilespmem:v11+s29+$0x0] =	vst.idx.add.f32.msk vm8, v13;
	v7, _, _ =	vpop (xrf2)  }
0x139: {  	vm7 =	vmor vm2, vm0;
	[tilespmem:v5+s29+$0x0] =	vst.idx.add.f32.msk vm3, v7  }
0x13a: {  	vm5 =	vmand vm5, vm1;
	vm3 =	vmand vm2, vm1;
	[tilespmem:v6+s29+$0x0] =	vst.idx.add.f32.msk vm9, v4  }
0x13b: {  	v7 =	vsub.f32 $0.0e+00, v7;
	v11 =	vld [tilespmem:s31+$0xFFFFFFC0];
	v5, _, _ =	vpop (xrf2)  }
0x13c: {  	v6 =	vld [tilespmem:s2+$0xFFFFFFC0]  }
0x13d: {  	[tilespmem:v3+s29+$0x0] =	vst.idx.add.f32.msk vm4, v7;
	v3 =	vsub.f32 $0.0e+00, v5  }
0x13e: {  	[tilespmem:v12+s29+$0x0] =	vst.idx.add.f32.msk vm6, v5;
	v4, _, _ =	vpop (xrf2)  }
0x13f: {  	[tilespmem:v1+s29+$0x0] =	vst.idx.add.f32.msk vm7, v4;
	v4 =	vsub.f32 $0.0e+00, v4;
	v1 =	vmov v15  }
0x140: {  	vm2 =	vne.s32 v11, v14;
	[tilespmem:v8+s29+$0x0] =	vst.idx.add.f32.msk vm5, v3  }
0x141: {  	[tilespmem:v2+s29+$0x0] =	vst.idx.add.f32.msk vm3, v4  }
0x142: {  	v2 =	vld [tilespmem:s2+$0x30]  }
0x143: {  	v3 =	vld [tilespmem:s2+$0x20]  }
0x144: {  	v4 =	vld [tilespmem:s2+$0x10]  }
0x145: {  	v5 =	vld [tilespmem:s2+$0x0]  }
0x146: {  	v7 =	vld [tilespmem:s2+$0xFFFFFFF0]  }
0x147: {  	v8 =	vld [tilespmem:s2+$0xFFFFFFE0]  }
0x148: {  	v9 =	vld [tilespmem:s2+$0xFFFFFFD0]  }
0x149: {  	v6 =	vld.idx.msk [tilespmem:v6+s3+$0x0], $0xffff  }
0x14a: {  	v2 =	vld.idx.msk [tilespmem:v2+s3+$0x0], $0xffff  }
0x14b: {  	v3 =	vld.idx.msk [tilespmem:v3+s3+$0x0], $0xffff  }
0x14c: {  	v12 =	vld.idx.msk [tilespmem:v4+s3+$0x0], $0xffff  }
0x14d: {  	v13 =	vld.idx.msk [tilespmem:v5+s3+$0x0], $0xffff  }
0x14e: {  	v15 =	vld.idx.msk [tilespmem:v7+s3+$0x0], $0xffff  }
0x14f: {  	v8 =	vld.idx.msk [tilespmem:v8+s3+$0x0], $0xffff;
	(xrf2) =	vadd.scan.msk.f32 $0xffff, v6  }
0x150: {  	v9 =	vld.idx.msk [tilespmem:v9+s3+$0x0], $0xffff  }
0x151: {  	v16 =	vld [tilespmem:s31+$0x31]  }
0x152: {  	v17 =	vld [tilespmem:s31+$0x30];
	(xrf2) =	vadd.scan.msk.f32 $0xffff, v2  }
0x153: {  	v2 =	vld [tilespmem:s31+$0xFFFFFFD1]  }
0x154: {  	v4 =	vld [tilespmem:s31+$0x21]  }
0x155: {  	vm3 =	vmor vm2, vm0;
	v18 =	vld [tilespmem:s31+$0x20];
	(xrf2) =	vadd.scan.msk.f32 $0xffff, v3  }
0x156: {  	v3 =	vld [tilespmem:s31+$0xFFFFFFE1]  }
0x157: {  	vm4 =	vmand vm2, vm1;
	v7 =	vld [tilespmem:s31+$0x11];
	vm5 =	vne.s32 v17, v16  }
0x158: {  	vm2 =	vne.s32 v1, v2;
	v10 =	vld [tilespmem:s31+$0x10];
	vm6 =	vmor vm5, vm0;
	(xrf2) =	vadd.scan.msk.f32 $0xffff, v12  }
0x159: {  	vm7 =	vmand vm5, vm1;
	v5 =	vld [tilespmem:s31+$0xFFFFFFE0];
	v12, _, _ =	vpop (xrf2)  }
0x15a: {  	v6 =	vld [tilespmem:s31+$0x1];
	vm8 =	vne.s32 v18, v4  }
0x15b: {  	[tilespmem:v11+s29+$0x0] =	vst.idx.add.f32.msk vm3, v12;
	v12 =	vsub.f32 $0.0e+00, v12;
	vm10 =	vmor vm8, vm0;
	(xrf2) =	vadd.scan.msk.f32 $0xffff, v13  }
0x15c: {  	v11 =	vld [tilespmem:s31+$0x0];
	v13, _, _ =	vpop (xrf2)  }
0x15d: {  	[tilespmem:v14+s29+$0x0] =	vst.idx.add.f32.msk vm4, v12;
	vm9 =	vne.s32 v10, v7;
	v12 =	vsub.f32 $0.0e+00, v13  }
.Ltmp3:
0x15e: {  	vm4 =	vne.s32 v5, v3;
	vm5 =	vmor vm9, vm0;
	[tilespmem:v17+s29+$0x0] =	vst.idx.add.f32.msk vm6, v13;
	(xrf2) =	vadd.scan.msk.f32 $0xffff, v8;
	(pc) =	sbr.rel @p0 .LBB2_8-.Ltmp3, $4  }
0x15f: {  	vm3 =	vmor vm4, vm0;
	[tilespmem:v16+s29+$0x0] =	vst.idx.add.f32.msk vm7, v12;
	v13, _, _ =	vpop (xrf2)  }
0x160: {  	vm7 =	vmand vm9, vm1;
	v8 =	vld [tilespmem:s31+$0xFFFFFFF1]  }
0x161: {  	vm6 =	vmand vm8, vm1;
	vm9 =	vne.s32 v11, v6;
	[tilespmem:v18+s29+$0x0] =	vst.idx.add.f32.msk vm10, v13;
	(xrf2) =	vadd.scan.msk.f32 $0xffff, v15  }
0x162: {  	v12 =	vld [tilespmem:s31+$0xFFFFFFF0];
	vm8 =	vmor vm9, vm0;
	s31 =	sadd.s32 $0x80, s31;
	v14, _, _ =	vpop (xrf2)  }
0x163: {  	_ =	sdelay $0x1  }
0x164: {  	(xrf2) =	vadd.scan.msk.f32 $0xffff, v9;
	_ =	sdelay $0x1  }
0x165: {  	vm9 =	vmand vm9, vm1;
	v9 =	vsub.f32 $0.0e+00, v14  }
0x166: {  	[tilespmem:v10+s29+$0x0] =	vst.idx.add.f32.msk vm5, v14;
	v10 =	vsub.f32 $0.0e+00, v13;
	vm4 =	vmand vm4, vm1;
	vm5 =	vne.s32 v12, v8  }
0x167: {  	[tilespmem:v7+s29+$0x0] =	vst.idx.add.f32.msk vm7, v9;
	v7, _, _ =	vpop (xrf2);
	vm7 =	vmor vm5, vm0  }
0x168: {  	[tilespmem:v4+s29+$0x0] =	vst.idx.add.f32.msk vm6, v10;
	vm6 =	vmor vm2, vm0;
	v4 =	vsub.f32 $0.0e+00, v7  }
0x169: {  	[tilespmem:v11+s29+$0x0] =	vst.idx.add.f32.msk vm8, v7;
	v7, _, _ =	vpop (xrf2);
	vm5 =	vmand vm5, vm1  }
0x16a: {  	vm2 =	vmand vm2, vm1;
	[tilespmem:v5+s29+$0x0] =	vst.idx.add.f32.msk vm3, v7;
	v5 =	vsub.f32 $0.0e+00, v7  }
0x16b: {  	[tilespmem:v6+s29+$0x0] =	vst.idx.add.f32.msk vm9, v4  }
0x16c: {  	v4, _, _ =	vpop (xrf2);
	[tilespmem:v3+s29+$0x0] =	vst.idx.add.f32.msk vm4, v5  }
0x16d: {  	v3 =	vsub.f32 $0.0e+00, v4;
	[tilespmem:v12+s29+$0x0] =	vst.idx.add.f32.msk vm7, v4;
	v4, _, _ =	vpop (xrf2)  }
0x16e: {  	[tilespmem:v1+s29+$0x0] =	vst.idx.add.f32.msk vm6, v4;
	v1 =	vsub.f32 $0.0e+00, v4  }
0x16f: {  	[tilespmem:v8+s29+$0x0] =	vst.idx.add.f32.msk vm5, v3  }
0x170: {  	[tilespmem:v2+s29+$0x0] =	vst.idx.add.f32.msk vm2, v1  }
0x171: {  	[tilespmem:s23], [sflag:$0x1] =	stream.linear.gather [hbm4b:s12+s3], $0x2000, $0x38;
	[tilespmem:$0xC180] =	vst v63  }
0x172: {  	_ = 	snop  }
0x173: {  	[tilespmem:s24], [sflag:$0x1] =	stream.linear.gather [hbm4b:s13+s3], $0x2000, $0x38;
	[tilespmem:$0xC180] =	vst v63  }
0x174: {  	_ =	swait.ge [sflag:s30], $0x2000  }
0x175: {  	[sflag:s30] =	ssyncset.done $0x0  }
0x176: {  	[sflag:s30] =	ssyncadd.s32 $0xFFFFE000  }
0x177: {  	_ =	swait.ge [sflag:s30], $0x2000  }
0x178: {  	[sflag:s30] =	ssyncset.done $0x0  }
0x179: {  	s31 =	simm.s32 $0x6148;
	[sflag:s30] =	ssyncadd.s32 $0xFFFFE000  }
0x17a: {  	v1 =	vld [tilespmem:s31+$0xFFFFFFD0]  }
0x17b: {  	v8 =	vld [tilespmem:s31+$0xFFFFFFC1]  }
0x17c: {  	s2 =	simm.s32 $0x20C0;
	v9 =	vld [tilespmem:s31+$0xFFFFFFC0]  }
0x17d: {  	v2 =	vld [tilespmem:s2+$0xFFFFFFC0]  }
0x17e: {  	v3 =	vld [tilespmem:s2+$0x30]  }
0x17f: {  	v4 =	vld [tilespmem:s2+$0x20]  }
0x180: {  	v5 =	vld [tilespmem:s2+$0x10]  }
0x181: {  	v6 =	vld [tilespmem:s2+$0x0]  }
0x182: {  	v7 =	vld [tilespmem:s2+$0xFFFFFFF0]  }
0x183: {  	v10 =	vld [tilespmem:s2+$0xFFFFFFE0]  }
0x184: {  	v12 =	vld [tilespmem:s2+$0xFFFFFFD0]  }
0x185: {  	v16 =	vld [tilespmem:s31+$0x31]  }
0x186: {  	v2 =	vld.idx.msk [tilespmem:v2+s3+$0x0], $0xffff  }
0x187: {  	v17 =	vld [tilespmem:s31+$0x30]  }
0x188: {  	v18 =	vld [tilespmem:s31+$0x20]  }
0x189: {  	v3 =	vld.idx.msk [tilespmem:v3+s3+$0x0], $0xffff  }
0x18a: {  	v11 =	vld.idx.msk [tilespmem:v4+s3+$0x0], $0xffff  }
0x18b: {  	v5 =	vld.idx.msk [tilespmem:v5+s3+$0x0], $0xffff;
	(xrf2) =	vadd.scan.msk.f32 $0xffff, v2  }
0x18c: {  	v13 =	vld.idx.msk [tilespmem:v6+s3+$0x0], $0xffff  }
0x18d: {  	v14 =	vld.idx.msk [tilespmem:v7+s3+$0x0], $0xffff  }
0x18e: {  	v15 =	vld.idx.msk [tilespmem:v10+s3+$0x0], $0xffff  }
0x18f: {  	vm2 =	vne.s32 v9, v8;
	v4 =	vld [tilespmem:s31+$0x21];
	(xrf2) =	vadd.scan.msk.f32 $0xffff, v3  }
0x190: {  	vm3 =	vmor vm2, vm0;
	v7 =	vld [tilespmem:s31+$0x11]  }
0x191: {  	v10 =	vld [tilespmem:s31+$0x10];
	(xrf2) =	vadd.scan.msk.f32 $0xffff, v11  }
0x192: {  	vm2 =	vmand vm2, vm1;
	v6 =	vld [tilespmem:s31+$0x1]  }
0x193: {  	vm4 =	vne.s32 v17, v16;
	v2 =	vld [tilespmem:s31+$0xFFFFFFD1]  }
0x194: {  	vm5 =	vmor vm4, vm0;
	v3 =	vld [tilespmem:s31+$0xFFFFFFE1];
	(xrf2) =	vadd.scan.msk.f32 $0xffff, v5  }
0x195: {  	vm6 =	vne.s32 v18, v4;
	v5 =	vld [tilespmem:s31+$0xFFFFFFE0];
	v11, _, _ =	vpop (xrf2)  }
0x196: {  	vm7 =	vmor vm6, vm0;
	[tilespmem:v9+s29+$0x0] =	vst.idx.add.f32.msk vm3, v11;
	v9 =	vsub.f32 $0.0e+00, v11  }
0x197: {  	vm4 =	vmand vm4, vm1;
	(xrf2) =	vadd.scan.msk.f32 $0xffff, v13;
	v11 =	vld [tilespmem:s31+$0x0]  }
0x198: {  	[tilespmem:v8+s29+$0x0] =	vst.idx.add.f32.msk vm2, v9  }
0x199: {  	vm8 =	vne.s32 v10, v7;
	v8, _, _ =	vpop (xrf2);
	v9 =	vld.idx.msk [tilespmem:v12+s3+$0x0], $0xffff  }
0x19a: {  	(xrf2) =	vadd.scan.msk.f32 $0xffff, v15;
	[tilespmem:v17+s29+$0x0] =	vst.idx.add.f32.msk vm5, v8;
	vm5 =	vmor vm8, vm0  }
0x19b: {  	v12 =	vsub.f32 $0.0e+00, v8;
	v13, _, _ =	vpop (xrf2);
	v8 =	vld [tilespmem:s31+$0xFFFFFFF1]  }
0x19c: {  	vm6 =	vmand vm6, vm1;
	[tilespmem:v18+s29+$0x0] =	vst.idx.add.f32.msk vm7, v13;
	vm7 =	vmand vm8, vm1  }
0x19d: {  	(xrf2) =	vadd.scan.msk.f32 $0xffff, v14;
	[tilespmem:v16+s29+$0x0] =	vst.idx.add.f32.msk vm4, v12;
	vm4 =	vne.s32 v5, v3;
	vm9 =	vne.s32 v11, v6  }
0x19e: {  	s1 =	simm.s32 $0x0;
	vm2 =	vne.s32 v1, v2;
	v14, _, _ =	vpop (xrf2);
	v12 =	vld [tilespmem:s31+$0xFFFFFFF0];
	s31 =	simm.s32 $0x61C8;
	vm3 =	vmor vm4, vm0;
	vm8 =	vmor vm9, vm0  }
.LBB2_10:
0x19f: {  	v15 =	vld [tilespmem:s31+$0xFFFFFFD0];
	s1 =	sadd.s32 $0x8, s1;
	s2 =	sadd.s32 $0x80, s2  }
0x1a0: {  	vm9 =	vmand vm9, vm1;
	p0 =	slt.u32 s1, $0x1F8;
	[tilespmem:v10+s29+$0x0] =	vst.idx.add.f32.msk vm5, v14;
	v10 =	vsub.f32 $0.0e+00, v14;
	(xrf2) =	vadd.scan.msk.f32 $0xffff, v9  }
0x1a1: {  	v9 =	vsub.f32 $0.0e+00, v13;
	v14 =	vld [tilespmem:s31+$0xFFFFFFC1];
	v13, _, _ =	vpop (xrf2)  }
0x1a2: {  	[tilespmem:v7+s29+$0x0] =	vst.idx.add.f32.msk vm7, v10  }
0x1a3: {  	vm4 =	vmand vm4, vm1;
	vm5 =	vne.s32 v12, v8;
	[tilespmem:v4+s29+$0x0] =	vst.idx.add.f32.msk vm6, v9  }
0x1a4: {  	v4 =	vsub.f32 $0.0e+00, v13;
	vm6 =	vmor vm5, vm0;
	[tilespmem:v11+s29+$0x0] =	vst.idx.add.f32.msk vm8, v13;
	v7, _, _ =	vpop (xrf2)  }
0x1a5: {  	vm7 =	vmor vm2, vm0;
	[tilespmem:v5+s29+$0x0] =	vst.idx.add.f32.msk vm3, v7  }
0x1a6: {  	vm5 =	vmand vm5, vm1;
	vm3 =	vmand vm2, vm1;
	[tilespmem:v6+s29+$0x0] =	vst.idx.add.f32.msk vm9, v4  }
0x1a7: {  	v7 =	vsub.f32 $0.0e+00, v7;
	v11 =	vld [tilespmem:s31+$0xFFFFFFC0];
	v5, _, _ =	vpop (xrf2)  }
0x1a8: {  	v6 =	vld [tilespmem:s2+$0xFFFFFFC0]  }
0x1a9: {  	[tilespmem:v3+s29+$0x0] =	vst.idx.add.f32.msk vm4, v7;
	v3 =	vsub.f32 $0.0e+00, v5  }
0x1aa: {  	[tilespmem:v12+s29+$0x0] =	vst.idx.add.f32.msk vm6, v5;
	v4, _, _ =	vpop (xrf2)  }
0x1ab: {  	[tilespmem:v1+s29+$0x0] =	vst.idx.add.f32.msk vm7, v4;
	v4 =	vsub.f32 $0.0e+00, v4;
	v1 =	vmov v15  }
0x1ac: {  	vm2 =	vne.s32 v11, v14;
	[tilespmem:v8+s29+$0x0] =	vst.idx.add.f32.msk vm5, v3  }
0x1ad: {  	[tilespmem:v2+s29+$0x0] =	vst.idx.add.f32.msk vm3, v4  }
0x1ae: {  	v2 =	vld [tilespmem:s2+$0x30]  }
0x1af: {  	v3 =	vld [tilespmem:s2+$0x20]  }
0x1b0: {  	v4 =	vld [tilespmem:s2+$0x10]  }
0x1b1: {  	v5 =	vld [tilespmem:s2+$0x0]  }
0x1b2: {  	v7 =	vld [tilespmem:s2+$0xFFFFFFF0]  }
0x1b3: {  	v8 =	vld [tilespmem:s2+$0xFFFFFFE0]  }
0x1b4: {  	v9 =	vld [tilespmem:s2+$0xFFFFFFD0]  }
0x1b5: {  	v6 =	vld.idx.msk [tilespmem:v6+s3+$0x0], $0xffff  }
0x1b6: {  	v2 =	vld.idx.msk [tilespmem:v2+s3+$0x0], $0xffff  }
0x1b7: {  	v3 =	vld.idx.msk [tilespmem:v3+s3+$0x0], $0xffff  }
0x1b8: {  	v12 =	vld.idx.msk [tilespmem:v4+s3+$0x0], $0xffff  }
0x1b9: {  	v13 =	vld.idx.msk [tilespmem:v5+s3+$0x0], $0xffff  }
0x1ba: {  	v15 =	vld.idx.msk [tilespmem:v7+s3+$0x0], $0xffff  }
0x1bb: {  	v8 =	vld.idx.msk [tilespmem:v8+s3+$0x0], $0xffff;
	(xrf2) =	vadd.scan.msk.f32 $0xffff, v6  }
0x1bc: {  	v9 =	vld.idx.msk [tilespmem:v9+s3+$0x0], $0xffff  }
0x1bd: {  	v16 =	vld [tilespmem:s31+$0x31]  }
0x1be: {  	v17 =	vld [tilespmem:s31+$0x30];
	(xrf2) =	vadd.scan.msk.f32 $0xffff, v2  }
0x1bf: {  	v2 =	vld [tilespmem:s31+$0xFFFFFFD1]  }
0x1c0: {  	v4 =	vld [tilespmem:s31+$0x21]  }
0x1c1: {  	vm3 =	vmor vm2, vm0;
	v18 =	vld [tilespmem:s31+$0x20];
	(xrf2) =	vadd.scan.msk.f32 $0xffff, v3  }
0x1c2: {  	v3 =	vld [tilespmem:s31+$0xFFFFFFE1]  }
0x1c3: {  	vm4 =	vmand vm2, vm1;
	v7 =	vld [tilespmem:s31+$0x11];
	vm5 =	vne.s32 v17, v16  }
0x1c4: {  	vm2 =	vne.s32 v1, v2;
	v10 =	vld [tilespmem:s31+$0x10];
	vm6 =	vmor vm5, vm0;
	(xrf2) =	vadd.scan.msk.f32 $0xffff, v12  }
0x1c5: {  	vm7 =	vmand vm5, vm1;
	v5 =	vld [tilespmem:s31+$0xFFFFFFE0];
	v12, _, _ =	vpop (xrf2)  }
0x1c6: {  	v6 =	vld [tilespmem:s31+$0x1];
	vm8 =	vne.s32 v18, v4  }
0x1c7: {  	[tilespmem:v11+s29+$0x0] =	vst.idx.add.f32.msk vm3, v12;
	v12 =	vsub.f32 $0.0e+00, v12;
	vm10 =	vmor vm8, vm0;
	(xrf2) =	vadd.scan.msk.f32 $0xffff, v13  }
0x1c8: {  	v11 =	vld [tilespmem:s31+$0x0];
	v13, _, _ =	vpop (xrf2)  }
0x1c9: {  	[tilespmem:v14+s29+$0x0] =	vst.idx.add.f32.msk vm4, v12;
	vm9 =	vne.s32 v10, v7;
	v12 =	vsub.f32 $0.0e+00, v13  }
.Ltmp4:
0x1ca: {  	vm4 =	vne.s32 v5, v3;
	vm5 =	vmor vm9, vm0;
	[tilespmem:v17+s29+$0x0] =	vst.idx.add.f32.msk vm6, v13;
	(xrf2) =	vadd.scan.msk.f32 $0xffff, v8;
	(pc) =	sbr.rel @p0 .LBB2_10-.Ltmp4, $4  }
0x1cb: {  	vm3 =	vmor vm4, vm0;
	[tilespmem:v16+s29+$0x0] =	vst.idx.add.f32.msk vm7, v12;
	v13, _, _ =	vpop (xrf2)  }
0x1cc: {  	vm7 =	vmand vm9, vm1;
	v8 =	vld [tilespmem:s31+$0xFFFFFFF1]  }
0x1cd: {  	vm6 =	vmand vm8, vm1;
	vm9 =	vne.s32 v11, v6;
	[tilespmem:v18+s29+$0x0] =	vst.idx.add.f32.msk vm10, v13;
	(xrf2) =	vadd.scan.msk.f32 $0xffff, v15  }
0x1ce: {  	v12 =	vld [tilespmem:s31+$0xFFFFFFF0];
	vm8 =	vmor vm9, vm0;
	s31 =	sadd.s32 $0x80, s31;
	v14, _, _ =	vpop (xrf2)  }
0x1cf: {  	_ =	sdelay $0x1  }
0x1d0: {  	(xrf2) =	vadd.scan.msk.f32 $0xffff, v9;
	_ =	sdelay $0x1  }
0x1d1: {  	vm9 =	vmand vm9, vm1;
	v9 =	vsub.f32 $0.0e+00, v14  }
0x1d2: {  	[tilespmem:v10+s29+$0x0] =	vst.idx.add.f32.msk vm5, v14;
	v10 =	vsub.f32 $0.0e+00, v13;
	vm4 =	vmand vm4, vm1;
	vm5 =	vne.s32 v12, v8  }
0x1d3: {  	[tilespmem:v7+s29+$0x0] =	vst.idx.add.f32.msk vm7, v9;
	v7, _, _ =	vpop (xrf2);
	vm7 =	vmor vm5, vm0  }
0x1d4: {  	[tilespmem:v4+s29+$0x0] =	vst.idx.add.f32.msk vm6, v10;
	vm6 =	vmor vm2, vm0;
	v4 =	vsub.f32 $0.0e+00, v7  }
0x1d5: {  	[tilespmem:v11+s29+$0x0] =	vst.idx.add.f32.msk vm8, v7;
	v7, _, _ =	vpop (xrf2);
	vm5 =	vmand vm5, vm1  }
0x1d6: {  	vm2 =	vmand vm2, vm1;
	[tilespmem:v5+s29+$0x0] =	vst.idx.add.f32.msk vm3, v7;
	v5 =	vsub.f32 $0.0e+00, v7  }
0x1d7: {  	[tilespmem:v6+s29+$0x0] =	vst.idx.add.f32.msk vm9, v4  }
0x1d8: {  	v4, _, _ =	vpop (xrf2);
	[tilespmem:v3+s29+$0x0] =	vst.idx.add.f32.msk vm4, v5  }
0x1d9: {  	v3 =	vsub.f32 $0.0e+00, v4;
	[tilespmem:v12+s29+$0x0] =	vst.idx.add.f32.msk vm7, v4;
	v4, _, _ =	vpop (xrf2)  }
0x1da: {  	[tilespmem:v1+s29+$0x0] =	vst.idx.add.f32.msk vm6, v4;
	v1 =	vsub.f32 $0.0e+00, v4  }
0x1db: {  	[tilespmem:v8+s29+$0x0] =	vst.idx.add.f32.msk vm5, v3  }
0x1dc: {  	[tilespmem:v2+s29+$0x0] =	vst.idx.add.f32.msk vm2, v1  }
0x1dd: {  	[tilespmem:s25], [sflag:$0x2] =	stream.linear.gather [hbm4b:s14+s3], $0x2000, $0x38;
	[tilespmem:$0xC180] =	vst v63  }
0x1de: {  	_ = 	snop  }
0x1df: {  	[tilespmem:s26], [sflag:$0x2] =	stream.linear.gather [hbm4b:s15+s3], $0x2000, $0x38;
	[tilespmem:$0xC180] =	vst v63  }
0x1e0: {  	_ =	swait.ge [sflag:s28], $0x2000  }
0x1e1: {  	[sflag:s28] =	ssyncset.done $0x0  }
0x1e2: {  	[sflag:s28] =	ssyncadd.s32 $0xFFFFE000  }
0x1e3: {  	_ =	swait.ge [sflag:s28], $0x2000  }
0x1e4: {  	[sflag:s28] =	ssyncset.done $0x0  }
0x1e5: {  	s31 =	simm.s32 $0x40C8;
	[sflag:s28] =	ssyncadd.s32 $0xFFFFE000  }
0x1e6: {  	v1 =	vld [tilespmem:s31+$0xFFFFFFD0]  }
0x1e7: {  	v8 =	vld [tilespmem:s31+$0xFFFFFFC1]  }
0x1e8: {  	s2 =	simm.s32 $0xC0;
	v9 =	vld [tilespmem:s31+$0xFFFFFFC0]  }
0x1e9: {  	v2 =	vld [tilespmem:s2+$0xFFFFFFC0]  }
0x1ea: {  	v3 =	vld [tilespmem:s2+$0x30]  }
0x1eb: {  	v4 =	vld [tilespmem:s2+$0x20]  }
0x1ec: {  	v5 =	vld [tilespmem:s2+$0x10]  }
0x1ed: {  	v6 =	vld [tilespmem:s2+$0x0]  }
0x1ee: {  	v7 =	vld [tilespmem:s2+$0xFFFFFFF0]  }
0x1ef: {  	v10 =	vld [tilespmem:s2+$0xFFFFFFE0]  }
0x1f0: {  	v12 =	vld [tilespmem:s2+$0xFFFFFFD0]  }
0x1f1: {  	v16 =	vld [tilespmem:s31+$0x31]  }
0x1f2: {  	v2 =	vld.idx.msk [tilespmem:v2+s3+$0x0], $0xffff  }
0x1f3: {  	v17 =	vld [tilespmem:s31+$0x30]  }
0x1f4: {  	v18 =	vld [tilespmem:s31+$0x20]  }
0x1f5: {  	v3 =	vld.idx.msk [tilespmem:v3+s3+$0x0], $0xffff  }
0x1f6: {  	v11 =	vld.idx.msk [tilespmem:v4+s3+$0x0], $0xffff  }
0x1f7: {  	v5 =	vld.idx.msk [tilespmem:v5+s3+$0x0], $0xffff;
	(xrf2) =	vadd.scan.msk.f32 $0xffff, v2  }
0x1f8: {  	v13 =	vld.idx.msk [tilespmem:v6+s3+$0x0], $0xffff  }
0x1f9: {  	v14 =	vld.idx.msk [tilespmem:v7+s3+$0x0], $0xffff  }
0x1fa: {  	v15 =	vld.idx.msk [tilespmem:v10+s3+$0x0], $0xffff  }
0x1fb: {  	vm2 =	vne.s32 v9, v8;
	v4 =	vld [tilespmem:s31+$0x21];
	(xrf2) =	vadd.scan.msk.f32 $0xffff, v3  }
0x1fc: {  	vm3 =	vmor vm2, vm0;
	v7 =	vld [tilespmem:s31+$0x11]  }
0x1fd: {  	v10 =	vld [tilespmem:s31+$0x10];
	(xrf2) =	vadd.scan.msk.f32 $0xffff, v11  }
0x1fe: {  	vm2 =	vmand vm2, vm1;
	v6 =	vld [tilespmem:s31+$0x1]  }
0x1ff: {  	vm4 =	vne.s32 v17, v16;
	v2 =	vld [tilespmem:s31+$0xFFFFFFD1]  }
0x200: {  	vm5 =	vmor vm4, vm0;
	v3 =	vld [tilespmem:s31+$0xFFFFFFE1];
	(xrf2) =	vadd.scan.msk.f32 $0xffff, v5  }
0x201: {  	vm6 =	vne.s32 v18, v4;
	v5 =	vld [tilespmem:s31+$0xFFFFFFE0];
	v11, _, _ =	vpop (xrf2)  }
0x202: {  	vm7 =	vmor vm6, vm0;
	[tilespmem:v9+s29+$0x0] =	vst.idx.add.f32.msk vm3, v11;
	v9 =	vsub.f32 $0.0e+00, v11  }
0x203: {  	vm4 =	vmand vm4, vm1;
	(xrf2) =	vadd.scan.msk.f32 $0xffff, v13;
	v11 =	vld [tilespmem:s31+$0x0]  }
0x204: {  	[tilespmem:v8+s29+$0x0] =	vst.idx.add.f32.msk vm2, v9  }
0x205: {  	vm8 =	vne.s32 v10, v7;
	v8, _, _ =	vpop (xrf2);
	v9 =	vld.idx.msk [tilespmem:v12+s3+$0x0], $0xffff  }
0x206: {  	(xrf2) =	vadd.scan.msk.f32 $0xffff, v15;
	[tilespmem:v17+s29+$0x0] =	vst.idx.add.f32.msk vm5, v8;
	vm5 =	vmor vm8, vm0  }
0x207: {  	v12 =	vsub.f32 $0.0e+00, v8;
	v13, _, _ =	vpop (xrf2);
	v8 =	vld [tilespmem:s31+$0xFFFFFFF1]  }
0x208: {  	vm6 =	vmand vm6, vm1;
	[tilespmem:v18+s29+$0x0] =	vst.idx.add.f32.msk vm7, v13;
	vm7 =	vmand vm8, vm1  }
0x209: {  	(xrf2) =	vadd.scan.msk.f32 $0xffff, v14;
	[tilespmem:v16+s29+$0x0] =	vst.idx.add.f32.msk vm4, v12;
	vm4 =	vne.s32 v5, v3;
	vm9 =	vne.s32 v11, v6  }
0x20a: {  	s1 =	simm.s32 $0x0;
	vm2 =	vne.s32 v1, v2;
	v14, _, _ =	vpop (xrf2);
	v12 =	vld [tilespmem:s31+$0xFFFFFFF0];
	s31 =	simm.s32 $0x4148;
	vm3 =	vmor vm4, vm0;
	vm8 =	vmor vm9, vm0  }
.LBB2_12:
0x20b: {  	v15 =	vld [tilespmem:s31+$0xFFFFFFD0];
	s1 =	sadd.s32 $0x8, s1;
	s2 =	sadd.s32 $0x80, s2  }
0x20c: {  	vm9 =	vmand vm9, vm1;
	p0 =	slt.u32 s1, $0x1F8;
	[tilespmem:v10+s29+$0x0] =	vst.idx.add.f32.msk vm5, v14;
	v10 =	vsub.f32 $0.0e+00, v14;
	(xrf2) =	vadd.scan.msk.f32 $0xffff, v9  }
0x20d: {  	v9 =	vsub.f32 $0.0e+00, v13;
	v14 =	vld [tilespmem:s31+$0xFFFFFFC1];
	v13, _, _ =	vpop (xrf2)  }
0x20e: {  	[tilespmem:v7+s29+$0x0] =	vst.idx.add.f32.msk vm7, v10  }
0x20f: {  	vm4 =	vmand vm4, vm1;
	vm5 =	vne.s32 v12, v8;
	[tilespmem:v4+s29+$0x0] =	vst.idx.add.f32.msk vm6, v9  }
0x210: {  	v4 =	vsub.f32 $0.0e+00, v13;
	vm6 =	vmor vm5, vm0;
	[tilespmem:v11+s29+$0x0] =	vst.idx.add.f32.msk vm8, v13;
	v7, _, _ =	vpop (xrf2)  }
0x211: {  	vm7 =	vmor vm2, vm0;
	[tilespmem:v5+s29+$0x0] =	vst.idx.add.f32.msk vm3, v7  }
0x212: {  	vm5 =	vmand vm5, vm1;
	vm3 =	vmand vm2, vm1;
	[tilespmem:v6+s29+$0x0] =	vst.idx.add.f32.msk vm9, v4  }
0x213: {  	v7 =	vsub.f32 $0.0e+00, v7;
	v11 =	vld [tilespmem:s31+$0xFFFFFFC0];
	v5, _, _ =	vpop (xrf2)  }
0x214: {  	v6 =	vld [tilespmem:s2+$0xFFFFFFC0]  }
0x215: {  	[tilespmem:v3+s29+$0x0] =	vst.idx.add.f32.msk vm4, v7;
	v3 =	vsub.f32 $0.0e+00, v5  }
0x216: {  	[tilespmem:v12+s29+$0x0] =	vst.idx.add.f32.msk vm6, v5;
	v4, _, _ =	vpop (xrf2)  }
0x217: {  	[tilespmem:v1+s29+$0x0] =	vst.idx.add.f32.msk vm7, v4;
	v4 =	vsub.f32 $0.0e+00, v4;
	v1 =	vmov v15  }
0x218: {  	vm2 =	vne.s32 v11, v14;
	[tilespmem:v8+s29+$0x0] =	vst.idx.add.f32.msk vm5, v3  }
0x219: {  	[tilespmem:v2+s29+$0x0] =	vst.idx.add.f32.msk vm3, v4  }
0x21a: {  	v2 =	vld [tilespmem:s2+$0x30]  }
0x21b: {  	v3 =	vld [tilespmem:s2+$0x20]  }
0x21c: {  	v4 =	vld [tilespmem:s2+$0x10]  }
0x21d: {  	v5 =	vld [tilespmem:s2+$0x0]  }
0x21e: {  	v7 =	vld [tilespmem:s2+$0xFFFFFFF0]  }
0x21f: {  	v8 =	vld [tilespmem:s2+$0xFFFFFFE0]  }
0x220: {  	v9 =	vld [tilespmem:s2+$0xFFFFFFD0]  }
0x221: {  	v6 =	vld.idx.msk [tilespmem:v6+s3+$0x0], $0xffff  }
0x222: {  	v2 =	vld.idx.msk [tilespmem:v2+s3+$0x0], $0xffff  }
0x223: {  	v3 =	vld.idx.msk [tilespmem:v3+s3+$0x0], $0xffff  }
0x224: {  	v12 =	vld.idx.msk [tilespmem:v4+s3+$0x0], $0xffff  }
0x225: {  	v13 =	vld.idx.msk [tilespmem:v5+s3+$0x0], $0xffff  }
0x226: {  	v15 =	vld.idx.msk [tilespmem:v7+s3+$0x0], $0xffff  }
0x227: {  	v8 =	vld.idx.msk [tilespmem:v8+s3+$0x0], $0xffff;
	(xrf2) =	vadd.scan.msk.f32 $0xffff, v6  }
0x228: {  	v9 =	vld.idx.msk [tilespmem:v9+s3+$0x0], $0xffff  }
0x229: {  	v16 =	vld [tilespmem:s31+$0x31]  }
0x22a: {  	v17 =	vld [tilespmem:s31+$0x30];
	(xrf2) =	vadd.scan.msk.f32 $0xffff, v2  }
0x22b: {  	v2 =	vld [tilespmem:s31+$0xFFFFFFD1]  }
0x22c: {  	v4 =	vld [tilespmem:s31+$0x21]  }
0x22d: {  	vm3 =	vmor vm2, vm0;
	v18 =	vld [tilespmem:s31+$0x20];
	(xrf2) =	vadd.scan.msk.f32 $0xffff, v3  }
0x22e: {  	v3 =	vld [tilespmem:s31+$0xFFFFFFE1]  }
0x22f: {  	vm4 =	vmand vm2, vm1;
	v7 =	vld [tilespmem:s31+$0x11];
	vm5 =	vne.s32 v17, v16  }
0x230: {  	vm2 =	vne.s32 v1, v2;
	v10 =	vld [tilespmem:s31+$0x10];
	vm6 =	vmor vm5, vm0;
	(xrf2) =	vadd.scan.msk.f32 $0xffff, v12  }
0x231: {  	vm7 =	vmand vm5, vm1;
	v5 =	vld [tilespmem:s31+$0xFFFFFFE0];
	v12, _, _ =	vpop (xrf2)  }
0x232: {  	v6 =	vld [tilespmem:s31+$0x1];
	vm8 =	vne.s32 v18, v4  }
0x233: {  	[tilespmem:v11+s29+$0x0] =	vst.idx.add.f32.msk vm3, v12;
	v12 =	vsub.f32 $0.0e+00, v12;
	vm10 =	vmor vm8, vm0;
	(xrf2) =	vadd.scan.msk.f32 $0xffff, v13  }
0x234: {  	v11 =	vld [tilespmem:s31+$0x0];
	v13, _, _ =	vpop (xrf2)  }
0x235: {  	[tilespmem:v14+s29+$0x0] =	vst.idx.add.f32.msk vm4, v12;
	vm9 =	vne.s32 v10, v7;
	v12 =	vsub.f32 $0.0e+00, v13  }
.Ltmp5:
0x236: {  	vm4 =	vne.s32 v5, v3;
	vm5 =	vmor vm9, vm0;
	[tilespmem:v17+s29+$0x0] =	vst.idx.add.f32.msk vm6, v13;
	(xrf2) =	vadd.scan.msk.f32 $0xffff, v8;
	(pc) =	sbr.rel @p0 .LBB2_12-.Ltmp5, $4  }
0x237: {  	vm3 =	vmor vm4, vm0;
	[tilespmem:v16+s29+$0x0] =	vst.idx.add.f32.msk vm7, v12;
	v13, _, _ =	vpop (xrf2)  }
0x238: {  	vm7 =	vmand vm9, vm1;
	v8 =	vld [tilespmem:s31+$0xFFFFFFF1]  }
0x239: {  	vm6 =	vmand vm8, vm1;
	vm9 =	vne.s32 v11, v6;
	[tilespmem:v18+s29+$0x0] =	vst.idx.add.f32.msk vm10, v13;
	(xrf2) =	vadd.scan.msk.f32 $0xffff, v15  }
0x23a: {  	v12 =	vld [tilespmem:s31+$0xFFFFFFF0];
	vm8 =	vmor vm9, vm0;
	s31 =	sadd.s32 $0x80, s31;
	v14, _, _ =	vpop (xrf2)  }
0x23b: {  	_ =	sdelay $0x1  }
0x23c: {  	(xrf2) =	vadd.scan.msk.f32 $0xffff, v9;
	_ =	sdelay $0x1  }
0x23d: {  	vm9 =	vmand vm9, vm1;
	v9 =	vsub.f32 $0.0e+00, v14  }
0x23e: {  	[tilespmem:v10+s29+$0x0] =	vst.idx.add.f32.msk vm5, v14;
	v10 =	vsub.f32 $0.0e+00, v13;
	vm4 =	vmand vm4, vm1;
	vm5 =	vne.s32 v12, v8  }
0x23f: {  	[tilespmem:v7+s29+$0x0] =	vst.idx.add.f32.msk vm7, v9;
	v7, _, _ =	vpop (xrf2);
	vm7 =	vmor vm5, vm0  }
0x240: {  	[tilespmem:v4+s29+$0x0] =	vst.idx.add.f32.msk vm6, v10;
	vm6 =	vmor vm2, vm0;
	v4 =	vsub.f32 $0.0e+00, v7  }
0x241: {  	[tilespmem:v11+s29+$0x0] =	vst.idx.add.f32.msk vm8, v7;
	v7, _, _ =	vpop (xrf2);
	vm5 =	vmand vm5, vm1  }
0x242: {  	vm2 =	vmand vm2, vm1;
	[tilespmem:v5+s29+$0x0] =	vst.idx.add.f32.msk vm3, v7;
	v5 =	vsub.f32 $0.0e+00, v7  }
0x243: {  	[tilespmem:v6+s29+$0x0] =	vst.idx.add.f32.msk vm9, v4  }
0x244: {  	v4, _, _ =	vpop (xrf2);
	[tilespmem:v3+s29+$0x0] =	vst.idx.add.f32.msk vm4, v5  }
0x245: {  	v3 =	vsub.f32 $0.0e+00, v4;
	[tilespmem:v12+s29+$0x0] =	vst.idx.add.f32.msk vm7, v4;
	v4, _, _ =	vpop (xrf2)  }
0x246: {  	[tilespmem:v1+s29+$0x0] =	vst.idx.add.f32.msk vm6, v4;
	v1 =	vsub.f32 $0.0e+00, v4  }
0x247: {  	[tilespmem:v8+s29+$0x0] =	vst.idx.add.f32.msk vm5, v3  }
0x248: {  	[tilespmem:v2+s29+$0x0] =	vst.idx.add.f32.msk vm2, v1  }
0x249: {  	[tilespmem:s23], [sflag:$0x1] =	stream.linear.gather [hbm4b:s16+s3], $0x2000, $0x38;
	[tilespmem:$0xC180] =	vst v63  }
0x24a: {  	_ = 	snop  }
0x24b: {  	[tilespmem:s24], [sflag:$0x1] =	stream.linear.gather [hbm4b:s17+s3], $0x2000, $0x38;
	[tilespmem:$0xC180] =	vst v63  }
0x24c: {  	_ =	swait.ge [sflag:s30], $0x2000  }
0x24d: {  	[sflag:s30] =	ssyncset.done $0x0  }
0x24e: {  	[sflag:s30] =	ssyncadd.s32 $0xFFFFE000  }
0x24f: {  	_ =	swait.ge [sflag:s30], $0x2000  }
0x250: {  	[sflag:s30] =	ssyncset.done $0x0  }
0x251: {  	s31 =	simm.s32 $0x6148;
	[sflag:s30] =	ssyncadd.s32 $0xFFFFE000  }
0x252: {  	v1 =	vld [tilespmem:s31+$0xFFFFFFD0]  }
0x253: {  	v8 =	vld [tilespmem:s31+$0xFFFFFFC1]  }
0x254: {  	s2 =	simm.s32 $0x20C0;
	v9 =	vld [tilespmem:s31+$0xFFFFFFC0]  }
0x255: {  	v2 =	vld [tilespmem:s2+$0xFFFFFFC0]  }
0x256: {  	v3 =	vld [tilespmem:s2+$0x30]  }
0x257: {  	v4 =	vld [tilespmem:s2+$0x20]  }
0x258: {  	v5 =	vld [tilespmem:s2+$0x10]  }
0x259: {  	v6 =	vld [tilespmem:s2+$0x0]  }
0x25a: {  	v7 =	vld [tilespmem:s2+$0xFFFFFFF0]  }
0x25b: {  	v10 =	vld [tilespmem:s2+$0xFFFFFFE0]  }
0x25c: {  	v12 =	vld [tilespmem:s2+$0xFFFFFFD0]  }
0x25d: {  	v16 =	vld [tilespmem:s31+$0x31]  }
0x25e: {  	v2 =	vld.idx.msk [tilespmem:v2+s3+$0x0], $0xffff  }
0x25f: {  	v17 =	vld [tilespmem:s31+$0x30]  }
0x260: {  	v18 =	vld [tilespmem:s31+$0x20]  }
0x261: {  	v3 =	vld.idx.msk [tilespmem:v3+s3+$0x0], $0xffff  }
0x262: {  	v11 =	vld.idx.msk [tilespmem:v4+s3+$0x0], $0xffff  }
0x263: {  	v5 =	vld.idx.msk [tilespmem:v5+s3+$0x0], $0xffff;
	(xrf2) =	vadd.scan.msk.f32 $0xffff, v2  }
0x264: {  	v13 =	vld.idx.msk [tilespmem:v6+s3+$0x0], $0xffff  }
0x265: {  	v14 =	vld.idx.msk [tilespmem:v7+s3+$0x0], $0xffff  }
0x266: {  	v15 =	vld.idx.msk [tilespmem:v10+s3+$0x0], $0xffff  }
0x267: {  	vm2 =	vne.s32 v9, v8;
	v4 =	vld [tilespmem:s31+$0x21];
	(xrf2) =	vadd.scan.msk.f32 $0xffff, v3  }
0x268: {  	vm3 =	vmor vm2, vm0;
	v7 =	vld [tilespmem:s31+$0x11]  }
0x269: {  	v10 =	vld [tilespmem:s31+$0x10];
	(xrf2) =	vadd.scan.msk.f32 $0xffff, v11  }
0x26a: {  	vm2 =	vmand vm2, vm1;
	v6 =	vld [tilespmem:s31+$0x1]  }
0x26b: {  	vm4 =	vne.s32 v17, v16;
	v2 =	vld [tilespmem:s31+$0xFFFFFFD1]  }
0x26c: {  	vm5 =	vmor vm4, vm0;
	v3 =	vld [tilespmem:s31+$0xFFFFFFE1];
	(xrf2) =	vadd.scan.msk.f32 $0xffff, v5  }
0x26d: {  	vm6 =	vne.s32 v18, v4;
	v5 =	vld [tilespmem:s31+$0xFFFFFFE0];
	v11, _, _ =	vpop (xrf2)  }
0x26e: {  	vm7 =	vmor vm6, vm0;
	[tilespmem:v9+s29+$0x0] =	vst.idx.add.f32.msk vm3, v11;
	v9 =	vsub.f32 $0.0e+00, v11  }
0x26f: {  	vm4 =	vmand vm4, vm1;
	(xrf2) =	vadd.scan.msk.f32 $0xffff, v13;
	v11 =	vld [tilespmem:s31+$0x0]  }
0x270: {  	[tilespmem:v8+s29+$0x0] =	vst.idx.add.f32.msk vm2, v9  }
0x271: {  	vm8 =	vne.s32 v10, v7;
	v8, _, _ =	vpop (xrf2);
	v9 =	vld.idx.msk [tilespmem:v12+s3+$0x0], $0xffff  }
0x272: {  	(xrf2) =	vadd.scan.msk.f32 $0xffff, v15;
	[tilespmem:v17+s29+$0x0] =	vst.idx.add.f32.msk vm5, v8;
	vm5 =	vmor vm8, vm0  }
0x273: {  	v12 =	vsub.f32 $0.0e+00, v8;
	v13, _, _ =	vpop (xrf2);
	v8 =	vld [tilespmem:s31+$0xFFFFFFF1]  }
0x274: {  	vm6 =	vmand vm6, vm1;
	[tilespmem:v18+s29+$0x0] =	vst.idx.add.f32.msk vm7, v13;
	vm7 =	vmand vm8, vm1  }
0x275: {  	(xrf2) =	vadd.scan.msk.f32 $0xffff, v14;
	[tilespmem:v16+s29+$0x0] =	vst.idx.add.f32.msk vm4, v12;
	vm4 =	vne.s32 v5, v3;
	vm9 =	vne.s32 v11, v6  }
0x276: {  	s1 =	simm.s32 $0x0;
	vm2 =	vne.s32 v1, v2;
	v14, _, _ =	vpop (xrf2);
	v12 =	vld [tilespmem:s31+$0xFFFFFFF0];
	s31 =	simm.s32 $0x61C8;
	vm3 =	vmor vm4, vm0;
	vm8 =	vmor vm9, vm0  }
.LBB2_14:
0x277: {  	v15 =	vld [tilespmem:s31+$0xFFFFFFD0];
	s1 =	sadd.s32 $0x8, s1;
	s2 =	sadd.s32 $0x80, s2  }
0x278: {  	vm9 =	vmand vm9, vm1;
	p0 =	slt.u32 s1, $0x1F8;
	[tilespmem:v10+s29+$0x0] =	vst.idx.add.f32.msk vm5, v14;
	v10 =	vsub.f32 $0.0e+00, v14;
	(xrf2) =	vadd.scan.msk.f32 $0xffff, v9  }
0x279: {  	v9 =	vsub.f32 $0.0e+00, v13;
	v14 =	vld [tilespmem:s31+$0xFFFFFFC1];
	v13, _, _ =	vpop (xrf2)  }
0x27a: {  	[tilespmem:v7+s29+$0x0] =	vst.idx.add.f32.msk vm7, v10  }
0x27b: {  	vm4 =	vmand vm4, vm1;
	vm5 =	vne.s32 v12, v8;
	[tilespmem:v4+s29+$0x0] =	vst.idx.add.f32.msk vm6, v9  }
0x27c: {  	v4 =	vsub.f32 $0.0e+00, v13;
	vm6 =	vmor vm5, vm0;
	[tilespmem:v11+s29+$0x0] =	vst.idx.add.f32.msk vm8, v13;
	v7, _, _ =	vpop (xrf2)  }
0x27d: {  	vm7 =	vmor vm2, vm0;
	[tilespmem:v5+s29+$0x0] =	vst.idx.add.f32.msk vm3, v7  }
0x27e: {  	vm5 =	vmand vm5, vm1;
	vm3 =	vmand vm2, vm1;
	[tilespmem:v6+s29+$0x0] =	vst.idx.add.f32.msk vm9, v4  }
0x27f: {  	v7 =	vsub.f32 $0.0e+00, v7;
	v11 =	vld [tilespmem:s31+$0xFFFFFFC0];
	v5, _, _ =	vpop (xrf2)  }
0x280: {  	v6 =	vld [tilespmem:s2+$0xFFFFFFC0]  }
0x281: {  	[tilespmem:v3+s29+$0x0] =	vst.idx.add.f32.msk vm4, v7;
	v3 =	vsub.f32 $0.0e+00, v5  }
0x282: {  	[tilespmem:v12+s29+$0x0] =	vst.idx.add.f32.msk vm6, v5;
	v4, _, _ =	vpop (xrf2)  }
0x283: {  	[tilespmem:v1+s29+$0x0] =	vst.idx.add.f32.msk vm7, v4;
	v4 =	vsub.f32 $0.0e+00, v4;
	v1 =	vmov v15  }
0x284: {  	vm2 =	vne.s32 v11, v14;
	[tilespmem:v8+s29+$0x0] =	vst.idx.add.f32.msk vm5, v3  }
0x285: {  	[tilespmem:v2+s29+$0x0] =	vst.idx.add.f32.msk vm3, v4  }
0x286: {  	v2 =	vld [tilespmem:s2+$0x30]  }
0x287: {  	v3 =	vld [tilespmem:s2+$0x20]  }
0x288: {  	v4 =	vld [tilespmem:s2+$0x10]  }
0x289: {  	v5 =	vld [tilespmem:s2+$0x0]  }
0x28a: {  	v7 =	vld [tilespmem:s2+$0xFFFFFFF0]  }
0x28b: {  	v8 =	vld [tilespmem:s2+$0xFFFFFFE0]  }
0x28c: {  	v9 =	vld [tilespmem:s2+$0xFFFFFFD0]  }
0x28d: {  	v6 =	vld.idx.msk [tilespmem:v6+s3+$0x0], $0xffff  }
0x28e: {  	v2 =	vld.idx.msk [tilespmem:v2+s3+$0x0], $0xffff  }
0x28f: {  	v3 =	vld.idx.msk [tilespmem:v3+s3+$0x0], $0xffff  }
0x290: {  	v12 =	vld.idx.msk [tilespmem:v4+s3+$0x0], $0xffff  }
0x291: {  	v13 =	vld.idx.msk [tilespmem:v5+s3+$0x0], $0xffff  }
0x292: {  	v15 =	vld.idx.msk [tilespmem:v7+s3+$0x0], $0xffff  }
0x293: {  	v8 =	vld.idx.msk [tilespmem:v8+s3+$0x0], $0xffff;
	(xrf2) =	vadd.scan.msk.f32 $0xffff, v6  }
0x294: {  	v9 =	vld.idx.msk [tilespmem:v9+s3+$0x0], $0xffff  }
0x295: {  	v16 =	vld [tilespmem:s31+$0x31]  }
0x296: {  	v17 =	vld [tilespmem:s31+$0x30];
	(xrf2) =	vadd.scan.msk.f32 $0xffff, v2  }
0x297: {  	v2 =	vld [tilespmem:s31+$0xFFFFFFD1]  }
0x298: {  	v4 =	vld [tilespmem:s31+$0x21]  }
0x299: {  	vm3 =	vmor vm2, vm0;
	v18 =	vld [tilespmem:s31+$0x20];
	(xrf2) =	vadd.scan.msk.f32 $0xffff, v3  }
0x29a: {  	v3 =	vld [tilespmem:s31+$0xFFFFFFE1]  }
0x29b: {  	vm4 =	vmand vm2, vm1;
	v7 =	vld [tilespmem:s31+$0x11];
	vm5 =	vne.s32 v17, v16  }
0x29c: {  	vm2 =	vne.s32 v1, v2;
	v10 =	vld [tilespmem:s31+$0x10];
	vm6 =	vmor vm5, vm0;
	(xrf2) =	vadd.scan.msk.f32 $0xffff, v12  }
0x29d: {  	vm7 =	vmand vm5, vm1;
	v5 =	vld [tilespmem:s31+$0xFFFFFFE0];
	v12, _, _ =	vpop (xrf2)  }
0x29e: {  	v6 =	vld [tilespmem:s31+$0x1];
	vm8 =	vne.s32 v18, v4  }
0x29f: {  	[tilespmem:v11+s29+$0x0] =	vst.idx.add.f32.msk vm3, v12;
	v12 =	vsub.f32 $0.0e+00, v12;
	vm10 =	vmor vm8, vm0;
	(xrf2) =	vadd.scan.msk.f32 $0xffff, v13  }
0x2a0: {  	v11 =	vld [tilespmem:s31+$0x0];
	v13, _, _ =	vpop (xrf2)  }
0x2a1: {  	[tilespmem:v14+s29+$0x0] =	vst.idx.add.f32.msk vm4, v12;
	vm9 =	vne.s32 v10, v7;
	v12 =	vsub.f32 $0.0e+00, v13  }
.Ltmp6:
0x2a2: {  	vm4 =	vne.s32 v5, v3;
	vm5 =	vmor vm9, vm0;
	[tilespmem:v17+s29+$0x0] =	vst.idx.add.f32.msk vm6, v13;
	(xrf2) =	vadd.scan.msk.f32 $0xffff, v8;
	(pc) =	sbr.rel @p0 .LBB2_14-.Ltmp6, $4  }
0x2a3: {  	vm3 =	vmor vm4, vm0;
	[tilespmem:v16+s29+$0x0] =	vst.idx.add.f32.msk vm7, v12;
	v13, _, _ =	vpop (xrf2)  }
0x2a4: {  	vm7 =	vmand vm9, vm1;
	v8 =	vld [tilespmem:s31+$0xFFFFFFF1]  }
0x2a5: {  	vm6 =	vmand vm8, vm1;
	vm9 =	vne.s32 v11, v6;
	[tilespmem:v18+s29+$0x0] =	vst.idx.add.f32.msk vm10, v13;
	(xrf2) =	vadd.scan.msk.f32 $0xffff, v15  }
0x2a6: {  	v12 =	vld [tilespmem:s31+$0xFFFFFFF0];
	vm8 =	vmor vm9, vm0;
	s31 =	sadd.s32 $0x80, s31;
	v14, _, _ =	vpop (xrf2)  }
0x2a7: {  	_ =	sdelay $0x1  }
0x2a8: {  	(xrf2) =	vadd.scan.msk.f32 $0xffff, v9;
	_ =	sdelay $0x1  }
0x2a9: {  	vm9 =	vmand vm9, vm1;
	v9 =	vsub.f32 $0.0e+00, v14  }
0x2aa: {  	[tilespmem:v10+s29+$0x0] =	vst.idx.add.f32.msk vm5, v14;
	v10 =	vsub.f32 $0.0e+00, v13;
	vm4 =	vmand vm4, vm1;
	vm5 =	vne.s32 v12, v8  }
0x2ab: {  	[tilespmem:v7+s29+$0x0] =	vst.idx.add.f32.msk vm7, v9;
	v7, _, _ =	vpop (xrf2);
	vm7 =	vmor vm5, vm0  }
0x2ac: {  	[tilespmem:v4+s29+$0x0] =	vst.idx.add.f32.msk vm6, v10;
	vm6 =	vmor vm2, vm0;
	v4 =	vsub.f32 $0.0e+00, v7  }
0x2ad: {  	[tilespmem:v11+s29+$0x0] =	vst.idx.add.f32.msk vm8, v7;
	v7, _, _ =	vpop (xrf2);
	vm5 =	vmand vm5, vm1  }
0x2ae: {  	vm2 =	vmand vm2, vm1;
	[tilespmem:v5+s29+$0x0] =	vst.idx.add.f32.msk vm3, v7;
	v5 =	vsub.f32 $0.0e+00, v7  }
0x2af: {  	[tilespmem:v6+s29+$0x0] =	vst.idx.add.f32.msk vm9, v4  }
0x2b0: {  	v4, _, _ =	vpop (xrf2);
	[tilespmem:v3+s29+$0x0] =	vst.idx.add.f32.msk vm4, v5  }
0x2b1: {  	v3 =	vsub.f32 $0.0e+00, v4;
	[tilespmem:v12+s29+$0x0] =	vst.idx.add.f32.msk vm7, v4;
	v4, _, _ =	vpop (xrf2)  }
0x2b2: {  	[tilespmem:v1+s29+$0x0] =	vst.idx.add.f32.msk vm6, v4;
	v1 =	vsub.f32 $0.0e+00, v4  }
0x2b3: {  	[tilespmem:v8+s29+$0x0] =	vst.idx.add.f32.msk vm5, v3  }
0x2b4: {  	[tilespmem:v2+s29+$0x0] =	vst.idx.add.f32.msk vm2, v1  }
0x2b5: {  	[tilespmem:s25], [sflag:$0x2] =	stream.linear.gather [hbm4b:s18+s3], $0x2000, $0x38;
	[tilespmem:$0xC180] =	vst v63  }
0x2b6: {  	_ = 	snop  }
0x2b7: {  	[tilespmem:s26], [sflag:$0x2] =	stream.linear.gather [hbm4b:s19+s3], $0x2000, $0x38;
	[tilespmem:$0xC180] =	vst v63  }
0x2b8: {  	_ =	swait.ge [sflag:s28], $0x2000  }
0x2b9: {  	[sflag:s28] =	ssyncset.done $0x0  }
0x2ba: {  	[sflag:s28] =	ssyncadd.s32 $0xFFFFE000  }
0x2bb: {  	_ =	swait.ge [sflag:s28], $0x2000  }
0x2bc: {  	[sflag:s28] =	ssyncset.done $0x0  }
0x2bd: {  	s31 =	simm.s32 $0x40C8;
	[sflag:s28] =	ssyncadd.s32 $0xFFFFE000  }
0x2be: {  	v1 =	vld [tilespmem:s31+$0xFFFFFFD0]  }
0x2bf: {  	v8 =	vld [tilespmem:s31+$0xFFFFFFC1]  }
0x2c0: {  	s2 =	simm.s32 $0xC0;
	v9 =	vld [tilespmem:s31+$0xFFFFFFC0]  }
0x2c1: {  	v2 =	vld [tilespmem:s2+$0xFFFFFFC0]  }
0x2c2: {  	v3 =	vld [tilespmem:s2+$0x30]  }
0x2c3: {  	v4 =	vld [tilespmem:s2+$0x20]  }
0x2c4: {  	v5 =	vld [tilespmem:s2+$0x10]  }
0x2c5: {  	v6 =	vld [tilespmem:s2+$0x0]  }
0x2c6: {  	v7 =	vld [tilespmem:s2+$0xFFFFFFF0]  }
0x2c7: {  	v10 =	vld [tilespmem:s2+$0xFFFFFFE0]  }
0x2c8: {  	v12 =	vld [tilespmem:s2+$0xFFFFFFD0]  }
0x2c9: {  	v16 =	vld [tilespmem:s31+$0x31]  }
0x2ca: {  	v2 =	vld.idx.msk [tilespmem:v2+s3+$0x0], $0xffff  }
0x2cb: {  	v17 =	vld [tilespmem:s31+$0x30]  }
0x2cc: {  	v18 =	vld [tilespmem:s31+$0x20]  }
0x2cd: {  	v3 =	vld.idx.msk [tilespmem:v3+s3+$0x0], $0xffff  }
0x2ce: {  	v11 =	vld.idx.msk [tilespmem:v4+s3+$0x0], $0xffff  }
0x2cf: {  	v5 =	vld.idx.msk [tilespmem:v5+s3+$0x0], $0xffff;
	(xrf2) =	vadd.scan.msk.f32 $0xffff, v2  }
0x2d0: {  	v13 =	vld.idx.msk [tilespmem:v6+s3+$0x0], $0xffff  }
0x2d1: {  	v14 =	vld.idx.msk [tilespmem:v7+s3+$0x0], $0xffff  }
0x2d2: {  	v15 =	vld.idx.msk [tilespmem:v10+s3+$0x0], $0xffff  }
0x2d3: {  	vm2 =	vne.s32 v9, v8;
	v4 =	vld [tilespmem:s31+$0x21];
	(xrf2) =	vadd.scan.msk.f32 $0xffff, v3  }
0x2d4: {  	vm3 =	vmor vm2, vm0;
	v7 =	vld [tilespmem:s31+$0x11]  }
0x2d5: {  	v10 =	vld [tilespmem:s31+$0x10];
	(xrf2) =	vadd.scan.msk.f32 $0xffff, v11  }
0x2d6: {  	vm2 =	vmand vm2, vm1;
	v6 =	vld [tilespmem:s31+$0x1]  }
0x2d7: {  	vm4 =	vne.s32 v17, v16;
	v2 =	vld [tilespmem:s31+$0xFFFFFFD1]  }
0x2d8: {  	vm5 =	vmor vm4, vm0;
	v3 =	vld [tilespmem:s31+$0xFFFFFFE1];
	(xrf2) =	vadd.scan.msk.f32 $0xffff, v5  }
0x2d9: {  	vm6 =	vne.s32 v18, v4;
	v5 =	vld [tilespmem:s31+$0xFFFFFFE0];
	v11, _, _ =	vpop (xrf2)  }
0x2da: {  	vm7 =	vmor vm6, vm0;
	[tilespmem:v9+s29+$0x0] =	vst.idx.add.f32.msk vm3, v11;
	v9 =	vsub.f32 $0.0e+00, v11  }
0x2db: {  	vm4 =	vmand vm4, vm1;
	(xrf2) =	vadd.scan.msk.f32 $0xffff, v13;
	v11 =	vld [tilespmem:s31+$0x0]  }
0x2dc: {  	[tilespmem:v8+s29+$0x0] =	vst.idx.add.f32.msk vm2, v9  }
0x2dd: {  	vm8 =	vne.s32 v10, v7;
	v8, _, _ =	vpop (xrf2);
	v9 =	vld.idx.msk [tilespmem:v12+s3+$0x0], $0xffff  }
0x2de: {  	(xrf2) =	vadd.scan.msk.f32 $0xffff, v15;
	[tilespmem:v17+s29+$0x0] =	vst.idx.add.f32.msk vm5, v8;
	vm5 =	vmor vm8, vm0  }
0x2df: {  	v12 =	vsub.f32 $0.0e+00, v8;
	v13, _, _ =	vpop (xrf2);
	v8 =	vld [tilespmem:s31+$0xFFFFFFF1]  }
0x2e0: {  	vm6 =	vmand vm6, vm1;
	[tilespmem:v18+s29+$0x0] =	vst.idx.add.f32.msk vm7, v13;
	vm7 =	vmand vm8, vm1  }
0x2e1: {  	(xrf2) =	vadd.scan.msk.f32 $0xffff, v14;
	[tilespmem:v16+s29+$0x0] =	vst.idx.add.f32.msk vm4, v12;
	vm4 =	vne.s32 v5, v3;
	vm9 =	vne.s32 v11, v6  }
0x2e2: {  	s1 =	simm.s32 $0x0;
	vm2 =	vne.s32 v1, v2;
	v14, _, _ =	vpop (xrf2);
	v12 =	vld [tilespmem:s31+$0xFFFFFFF0];
	s31 =	simm.s32 $0x4148;
	vm3 =	vmor vm4, vm0;
	vm8 =	vmor vm9, vm0  }
.LBB2_16:
0x2e3: {  	v15 =	vld [tilespmem:s31+$0xFFFFFFD0];
	s1 =	sadd.s32 $0x8, s1;
	s2 =	sadd.s32 $0x80, s2  }
0x2e4: {  	vm9 =	vmand vm9, vm1;
	p0 =	slt.u32 s1, $0x1F8;
	[tilespmem:v10+s29+$0x0] =	vst.idx.add.f32.msk vm5, v14;
	v10 =	vsub.f32 $0.0e+00, v14;
	(xrf2) =	vadd.scan.msk.f32 $0xffff, v9  }
0x2e5: {  	v9 =	vsub.f32 $0.0e+00, v13;
	v14 =	vld [tilespmem:s31+$0xFFFFFFC1];
	v13, _, _ =	vpop (xrf2)  }
0x2e6: {  	[tilespmem:v7+s29+$0x0] =	vst.idx.add.f32.msk vm7, v10  }
0x2e7: {  	vm4 =	vmand vm4, vm1;
	vm5 =	vne.s32 v12, v8;
	[tilespmem:v4+s29+$0x0] =	vst.idx.add.f32.msk vm6, v9  }
0x2e8: {  	v4 =	vsub.f32 $0.0e+00, v13;
	vm6 =	vmor vm5, vm0;
	[tilespmem:v11+s29+$0x0] =	vst.idx.add.f32.msk vm8, v13;
	v7, _, _ =	vpop (xrf2)  }
0x2e9: {  	vm7 =	vmor vm2, vm0;
	[tilespmem:v5+s29+$0x0] =	vst.idx.add.f32.msk vm3, v7  }
0x2ea: {  	vm5 =	vmand vm5, vm1;
	vm3 =	vmand vm2, vm1;
	[tilespmem:v6+s29+$0x0] =	vst.idx.add.f32.msk vm9, v4  }
0x2eb: {  	v7 =	vsub.f32 $0.0e+00, v7;
	v11 =	vld [tilespmem:s31+$0xFFFFFFC0];
	v5, _, _ =	vpop (xrf2)  }
0x2ec: {  	v6 =	vld [tilespmem:s2+$0xFFFFFFC0]  }
0x2ed: {  	[tilespmem:v3+s29+$0x0] =	vst.idx.add.f32.msk vm4, v7;
	v3 =	vsub.f32 $0.0e+00, v5  }
0x2ee: {  	[tilespmem:v12+s29+$0x0] =	vst.idx.add.f32.msk vm6, v5;
	v4, _, _ =	vpop (xrf2)  }
0x2ef: {  	[tilespmem:v1+s29+$0x0] =	vst.idx.add.f32.msk vm7, v4;
	v4 =	vsub.f32 $0.0e+00, v4;
	v1 =	vmov v15  }
0x2f0: {  	vm2 =	vne.s32 v11, v14;
	[tilespmem:v8+s29+$0x0] =	vst.idx.add.f32.msk vm5, v3  }
0x2f1: {  	[tilespmem:v2+s29+$0x0] =	vst.idx.add.f32.msk vm3, v4  }
0x2f2: {  	v2 =	vld [tilespmem:s2+$0x30]  }
0x2f3: {  	v3 =	vld [tilespmem:s2+$0x20]  }
0x2f4: {  	v4 =	vld [tilespmem:s2+$0x10]  }
0x2f5: {  	v5 =	vld [tilespmem:s2+$0x0]  }
0x2f6: {  	v7 =	vld [tilespmem:s2+$0xFFFFFFF0]  }
0x2f7: {  	v8 =	vld [tilespmem:s2+$0xFFFFFFE0]  }
0x2f8: {  	v9 =	vld [tilespmem:s2+$0xFFFFFFD0]  }
0x2f9: {  	v6 =	vld.idx.msk [tilespmem:v6+s3+$0x0], $0xffff  }
0x2fa: {  	v2 =	vld.idx.msk [tilespmem:v2+s3+$0x0], $0xffff  }
0x2fb: {  	v3 =	vld.idx.msk [tilespmem:v3+s3+$0x0], $0xffff  }
0x2fc: {  	v12 =	vld.idx.msk [tilespmem:v4+s3+$0x0], $0xffff  }
0x2fd: {  	v13 =	vld.idx.msk [tilespmem:v5+s3+$0x0], $0xffff  }
0x2fe: {  	v15 =	vld.idx.msk [tilespmem:v7+s3+$0x0], $0xffff  }
0x2ff: {  	v8 =	vld.idx.msk [tilespmem:v8+s3+$0x0], $0xffff;
	(xrf2) =	vadd.scan.msk.f32 $0xffff, v6  }
0x300: {  	v9 =	vld.idx.msk [tilespmem:v9+s3+$0x0], $0xffff  }
0x301: {  	v16 =	vld [tilespmem:s31+$0x31]  }
0x302: {  	v17 =	vld [tilespmem:s31+$0x30];
	(xrf2) =	vadd.scan.msk.f32 $0xffff, v2  }
0x303: {  	v2 =	vld [tilespmem:s31+$0xFFFFFFD1]  }
0x304: {  	v4 =	vld [tilespmem:s31+$0x21]  }
0x305: {  	vm3 =	vmor vm2, vm0;
	v18 =	vld [tilespmem:s31+$0x20];
	(xrf2) =	vadd.scan.msk.f32 $0xffff, v3  }
0x306: {  	v3 =	vld [tilespmem:s31+$0xFFFFFFE1]  }
0x307: {  	vm4 =	vmand vm2, vm1;
	v7 =	vld [tilespmem:s31+$0x11];
	vm5 =	vne.s32 v17, v16  }
0x308: {  	vm2 =	vne.s32 v1, v2;
	v10 =	vld [tilespmem:s31+$0x10];
	vm6 =	vmor vm5, vm0;
	(xrf2) =	vadd.scan.msk.f32 $0xffff, v12  }
0x309: {  	vm7 =	vmand vm5, vm1;
	v5 =	vld [tilespmem:s31+$0xFFFFFFE0];
	v12, _, _ =	vpop (xrf2)  }
0x30a: {  	v6 =	vld [tilespmem:s31+$0x1];
	vm8 =	vne.s32 v18, v4  }
0x30b: {  	[tilespmem:v11+s29+$0x0] =	vst.idx.add.f32.msk vm3, v12;
	v12 =	vsub.f32 $0.0e+00, v12;
	vm10 =	vmor vm8, vm0;
	(xrf2) =	vadd.scan.msk.f32 $0xffff, v13  }
0x30c: {  	v11 =	vld [tilespmem:s31+$0x0];
	v13, _, _ =	vpop (xrf2)  }
0x30d: {  	[tilespmem:v14+s29+$0x0] =	vst.idx.add.f32.msk vm4, v12;
	vm9 =	vne.s32 v10, v7;
	v12 =	vsub.f32 $0.0e+00, v13  }
.Ltmp7:
0x30e: {  	vm4 =	vne.s32 v5, v3;
	vm5 =	vmor vm9, vm0;
	[tilespmem:v17+s29+$0x0] =	vst.idx.add.f32.msk vm6, v13;
	(xrf2) =	vadd.scan.msk.f32 $0xffff, v8;
	(pc) =	sbr.rel @p0 .LBB2_16-.Ltmp7, $4  }
0x30f: {  	vm3 =	vmor vm4, vm0;
	[tilespmem:v16+s29+$0x0] =	vst.idx.add.f32.msk vm7, v12;
	v13, _, _ =	vpop (xrf2)  }
0x310: {  	vm7 =	vmand vm9, vm1;
	v8 =	vld [tilespmem:s31+$0xFFFFFFF1]  }
0x311: {  	vm6 =	vmand vm8, vm1;
	vm9 =	vne.s32 v11, v6;
	[tilespmem:v18+s29+$0x0] =	vst.idx.add.f32.msk vm10, v13;
	(xrf2) =	vadd.scan.msk.f32 $0xffff, v15  }
0x312: {  	v12 =	vld [tilespmem:s31+$0xFFFFFFF0];
	vm8 =	vmor vm9, vm0;
	s31 =	sadd.s32 $0x80, s31;
	v14, _, _ =	vpop (xrf2)  }
0x313: {  	_ =	sdelay $0x1  }
0x314: {  	(xrf2) =	vadd.scan.msk.f32 $0xffff, v9;
	_ =	sdelay $0x1  }
0x315: {  	vm9 =	vmand vm9, vm1;
	v9 =	vsub.f32 $0.0e+00, v14  }
0x316: {  	[tilespmem:v10+s29+$0x0] =	vst.idx.add.f32.msk vm5, v14;
	v10 =	vsub.f32 $0.0e+00, v13;
	vm4 =	vmand vm4, vm1;
	vm5 =	vne.s32 v12, v8  }
0x317: {  	[tilespmem:v7+s29+$0x0] =	vst.idx.add.f32.msk vm7, v9;
	v7, _, _ =	vpop (xrf2);
	vm7 =	vmor vm5, vm0  }
0x318: {  	[tilespmem:v4+s29+$0x0] =	vst.idx.add.f32.msk vm6, v10;
	vm6 =	vmor vm2, vm0;
	v4 =	vsub.f32 $0.0e+00, v7  }
0x319: {  	[tilespmem:v11+s29+$0x0] =	vst.idx.add.f32.msk vm8, v7;
	v7, _, _ =	vpop (xrf2);
	vm5 =	vmand vm5, vm1  }
0x31a: {  	vm2 =	vmand vm2, vm1;
	[tilespmem:v5+s29+$0x0] =	vst.idx.add.f32.msk vm3, v7;
	v5 =	vsub.f32 $0.0e+00, v7  }
0x31b: {  	[tilespmem:v6+s29+$0x0] =	vst.idx.add.f32.msk vm9, v4  }
0x31c: {  	v4, _, _ =	vpop (xrf2);
	[tilespmem:v3+s29+$0x0] =	vst.idx.add.f32.msk vm4, v5  }
0x31d: {  	v3 =	vsub.f32 $0.0e+00, v4;
	[tilespmem:v12+s29+$0x0] =	vst.idx.add.f32.msk vm7, v4;
	v4, _, _ =	vpop (xrf2)  }
0x31e: {  	[tilespmem:v1+s29+$0x0] =	vst.idx.add.f32.msk vm6, v4;
	v1 =	vsub.f32 $0.0e+00, v4  }
0x31f: {  	[tilespmem:v8+s29+$0x0] =	vst.idx.add.f32.msk vm5, v3  }
0x320: {  	[tilespmem:v2+s29+$0x0] =	vst.idx.add.f32.msk vm2, v1  }
0x321: {  	_ =	swait.ge [sflag:s30], $0x2000  }
0x322: {  	[sflag:s30] =	ssyncset.done $0x0  }
0x323: {  	[sflag:s30] =	ssyncadd.s32 $0xFFFFE000  }
0x324: {  	_ =	swait.ge [sflag:s30], $0x2000  }
0x325: {  	[sflag:s30] =	ssyncset.done $0x0  }
0x326: {  	s31 =	simm.s32 $0x6148;
	[sflag:s30] =	ssyncadd.s32 $0xFFFFE000  }
0x327: {  	v1 =	vld [tilespmem:s31+$0xFFFFFFD0]  }
0x328: {  	v8 =	vld [tilespmem:s31+$0xFFFFFFC1]  }
0x329: {  	s2 =	simm.s32 $0x20C0;
	v9 =	vld [tilespmem:s31+$0xFFFFFFC0]  }
0x32a: {  	v2 =	vld [tilespmem:s2+$0xFFFFFFC0]  }
0x32b: {  	v3 =	vld [tilespmem:s2+$0x30]  }
0x32c: {  	v4 =	vld [tilespmem:s2+$0x20]  }
0x32d: {  	v5 =	vld [tilespmem:s2+$0x10]  }
0x32e: {  	v6 =	vld [tilespmem:s2+$0x0]  }
0x32f: {  	v7 =	vld [tilespmem:s2+$0xFFFFFFF0]  }
0x330: {  	v10 =	vld [tilespmem:s2+$0xFFFFFFE0]  }
0x331: {  	v12 =	vld [tilespmem:s2+$0xFFFFFFD0]  }
0x332: {  	v16 =	vld [tilespmem:s31+$0x31]  }
0x333: {  	v2 =	vld.idx.msk [tilespmem:v2+s3+$0x0], $0xffff  }
0x334: {  	v17 =	vld [tilespmem:s31+$0x30]  }
0x335: {  	v18 =	vld [tilespmem:s31+$0x20]  }
0x336: {  	v3 =	vld.idx.msk [tilespmem:v3+s3+$0x0], $0xffff  }
0x337: {  	v11 =	vld.idx.msk [tilespmem:v4+s3+$0x0], $0xffff  }
0x338: {  	v5 =	vld.idx.msk [tilespmem:v5+s3+$0x0], $0xffff;
	(xrf2) =	vadd.scan.msk.f32 $0xffff, v2  }
0x339: {  	v13 =	vld.idx.msk [tilespmem:v6+s3+$0x0], $0xffff  }
0x33a: {  	v14 =	vld.idx.msk [tilespmem:v7+s3+$0x0], $0xffff  }
0x33b: {  	v15 =	vld.idx.msk [tilespmem:v10+s3+$0x0], $0xffff  }
0x33c: {  	vm2 =	vne.s32 v9, v8;
	v4 =	vld [tilespmem:s31+$0x21];
	(xrf2) =	vadd.scan.msk.f32 $0xffff, v3  }
0x33d: {  	vm3 =	vmor vm2, vm0;
	v7 =	vld [tilespmem:s31+$0x11]  }
0x33e: {  	v10 =	vld [tilespmem:s31+$0x10];
	(xrf2) =	vadd.scan.msk.f32 $0xffff, v11  }
0x33f: {  	vm2 =	vmand vm2, vm1;
	v6 =	vld [tilespmem:s31+$0x1]  }
0x340: {  	vm4 =	vne.s32 v17, v16;
	v2 =	vld [tilespmem:s31+$0xFFFFFFD1]  }
0x341: {  	vm5 =	vmor vm4, vm0;
	v3 =	vld [tilespmem:s31+$0xFFFFFFE1];
	(xrf2) =	vadd.scan.msk.f32 $0xffff, v5  }
0x342: {  	vm6 =	vne.s32 v18, v4;
	v5 =	vld [tilespmem:s31+$0xFFFFFFE0];
	v11, _, _ =	vpop (xrf2)  }
0x343: {  	vm7 =	vmor vm6, vm0;
	[tilespmem:v9+s29+$0x0] =	vst.idx.add.f32.msk vm3, v11;
	v9 =	vsub.f32 $0.0e+00, v11  }
0x344: {  	vm4 =	vmand vm4, vm1;
	(xrf2) =	vadd.scan.msk.f32 $0xffff, v13;
	v11 =	vld [tilespmem:s31+$0x0]  }
0x345: {  	[tilespmem:v8+s29+$0x0] =	vst.idx.add.f32.msk vm2, v9  }
0x346: {  	vm8 =	vne.s32 v10, v7;
	v8, _, _ =	vpop (xrf2);
	v9 =	vld.idx.msk [tilespmem:v12+s3+$0x0], $0xffff  }
0x347: {  	(xrf2) =	vadd.scan.msk.f32 $0xffff, v15;
	[tilespmem:v17+s29+$0x0] =	vst.idx.add.f32.msk vm5, v8;
	vm5 =	vmor vm8, vm0  }
0x348: {  	v12 =	vsub.f32 $0.0e+00, v8;
	v13, _, _ =	vpop (xrf2);
	v8 =	vld [tilespmem:s31+$0xFFFFFFF1]  }
0x349: {  	vm6 =	vmand vm6, vm1;
	[tilespmem:v18+s29+$0x0] =	vst.idx.add.f32.msk vm7, v13;
	vm7 =	vmand vm8, vm1  }
0x34a: {  	(xrf2) =	vadd.scan.msk.f32 $0xffff, v14;
	[tilespmem:v16+s29+$0x0] =	vst.idx.add.f32.msk vm4, v12;
	vm4 =	vne.s32 v5, v3;
	vm9 =	vne.s32 v11, v6  }
0x34b: {  	s1 =	simm.s32 $0x0;
	vm2 =	vne.s32 v1, v2;
	v14, _, _ =	vpop (xrf2);
	v12 =	vld [tilespmem:s31+$0xFFFFFFF0];
	s31 =	simm.s32 $0x61C8;
	vm3 =	vmor vm4, vm0;
	vm8 =	vmor vm9, vm0  }
.LBB2_18:
0x34c: {  	v15 =	vld [tilespmem:s31+$0xFFFFFFD0];
	s1 =	sadd.s32 $0x8, s1;
	s2 =	sadd.s32 $0x80, s2  }
0x34d: {  	vm9 =	vmand vm9, vm1;
	p0 =	slt.u32 s1, $0x1F8;
	[tilespmem:v10+s29+$0x0] =	vst.idx.add.f32.msk vm5, v14;
	v10 =	vsub.f32 $0.0e+00, v14;
	(xrf2) =	vadd.scan.msk.f32 $0xffff, v9  }
0x34e: {  	v9 =	vsub.f32 $0.0e+00, v13;
	v14 =	vld [tilespmem:s31+$0xFFFFFFC1];
	v13, _, _ =	vpop (xrf2)  }
0x34f: {  	[tilespmem:v7+s29+$0x0] =	vst.idx.add.f32.msk vm7, v10  }
0x350: {  	vm4 =	vmand vm4, vm1;
	vm5 =	vne.s32 v12, v8;
	[tilespmem:v4+s29+$0x0] =	vst.idx.add.f32.msk vm6, v9  }
0x351: {  	v4 =	vsub.f32 $0.0e+00, v13;
	vm6 =	vmor vm5, vm0;
	[tilespmem:v11+s29+$0x0] =	vst.idx.add.f32.msk vm8, v13;
	v7, _, _ =	vpop (xrf2)  }
0x352: {  	vm7 =	vmor vm2, vm0;
	[tilespmem:v5+s29+$0x0] =	vst.idx.add.f32.msk vm3, v7  }
0x353: {  	vm5 =	vmand vm5, vm1;
	vm3 =	vmand vm2, vm1;
	[tilespmem:v6+s29+$0x0] =	vst.idx.add.f32.msk vm9, v4  }
0x354: {  	v7 =	vsub.f32 $0.0e+00, v7;
	v11 =	vld [tilespmem:s31+$0xFFFFFFC0];
	v5, _, _ =	vpop (xrf2)  }
0x355: {  	v6 =	vld [tilespmem:s2+$0xFFFFFFC0]  }
0x356: {  	[tilespmem:v3+s29+$0x0] =	vst.idx.add.f32.msk vm4, v7;
	v3 =	vsub.f32 $0.0e+00, v5  }
0x357: {  	[tilespmem:v12+s29+$0x0] =	vst.idx.add.f32.msk vm6, v5;
	v4, _, _ =	vpop (xrf2)  }
0x358: {  	[tilespmem:v1+s29+$0x0] =	vst.idx.add.f32.msk vm7, v4;
	v4 =	vsub.f32 $0.0e+00, v4;
	v1 =	vmov v15  }
0x359: {  	vm2 =	vne.s32 v11, v14;
	[tilespmem:v8+s29+$0x0] =	vst.idx.add.f32.msk vm5, v3  }
0x35a: {  	[tilespmem:v2+s29+$0x0] =	vst.idx.add.f32.msk vm3, v4  }
0x35b: {  	v2 =	vld [tilespmem:s2+$0x30]  }
0x35c: {  	v3 =	vld [tilespmem:s2+$0x20]  }
0x35d: {  	v4 =	vld [tilespmem:s2+$0x10]  }
0x35e: {  	v5 =	vld [tilespmem:s2+$0x0]  }
0x35f: {  	v7 =	vld [tilespmem:s2+$0xFFFFFFF0]  }
0x360: {  	v8 =	vld [tilespmem:s2+$0xFFFFFFE0]  }
0x361: {  	v9 =	vld [tilespmem:s2+$0xFFFFFFD0]  }
0x362: {  	v6 =	vld.idx.msk [tilespmem:v6+s3+$0x0], $0xffff  }
0x363: {  	v2 =	vld.idx.msk [tilespmem:v2+s3+$0x0], $0xffff  }
0x364: {  	v3 =	vld.idx.msk [tilespmem:v3+s3+$0x0], $0xffff  }
0x365: {  	v12 =	vld.idx.msk [tilespmem:v4+s3+$0x0], $0xffff  }
0x366: {  	v13 =	vld.idx.msk [tilespmem:v5+s3+$0x0], $0xffff  }
0x367: {  	v15 =	vld.idx.msk [tilespmem:v7+s3+$0x0], $0xffff  }
0x368: {  	v8 =	vld.idx.msk [tilespmem:v8+s3+$0x0], $0xffff;
	(xrf2) =	vadd.scan.msk.f32 $0xffff, v6  }
0x369: {  	v9 =	vld.idx.msk [tilespmem:v9+s3+$0x0], $0xffff  }
0x36a: {  	v16 =	vld [tilespmem:s31+$0x31]  }
0x36b: {  	v17 =	vld [tilespmem:s31+$0x30];
	(xrf2) =	vadd.scan.msk.f32 $0xffff, v2  }
0x36c: {  	v2 =	vld [tilespmem:s31+$0xFFFFFFD1]  }
0x36d: {  	v4 =	vld [tilespmem:s31+$0x21]  }
0x36e: {  	vm3 =	vmor vm2, vm0;
	v18 =	vld [tilespmem:s31+$0x20];
	(xrf2) =	vadd.scan.msk.f32 $0xffff, v3  }
0x36f: {  	v3 =	vld [tilespmem:s31+$0xFFFFFFE1]  }
0x370: {  	vm4 =	vmand vm2, vm1;
	v7 =	vld [tilespmem:s31+$0x11];
	vm5 =	vne.s32 v17, v16  }
0x371: {  	vm2 =	vne.s32 v1, v2;
	v10 =	vld [tilespmem:s31+$0x10];
	vm6 =	vmor vm5, vm0;
	(xrf2) =	vadd.scan.msk.f32 $0xffff, v12  }
0x372: {  	vm7 =	vmand vm5, vm1;
	v5 =	vld [tilespmem:s31+$0xFFFFFFE0];
	v12, _, _ =	vpop (xrf2)  }
0x373: {  	v6 =	vld [tilespmem:s31+$0x1];
	vm8 =	vne.s32 v18, v4  }
0x374: {  	[tilespmem:v11+s29+$0x0] =	vst.idx.add.f32.msk vm3, v12;
	v12 =	vsub.f32 $0.0e+00, v12;
	vm10 =	vmor vm8, vm0;
	(xrf2) =	vadd.scan.msk.f32 $0xffff, v13  }
0x375: {  	v11 =	vld [tilespmem:s31+$0x0];
	v13, _, _ =	vpop (xrf2)  }
0x376: {  	[tilespmem:v14+s29+$0x0] =	vst.idx.add.f32.msk vm4, v12;
	vm9 =	vne.s32 v10, v7;
	v12 =	vsub.f32 $0.0e+00, v13  }
.Ltmp8:
0x377: {  	vm4 =	vne.s32 v5, v3;
	vm5 =	vmor vm9, vm0;
	[tilespmem:v17+s29+$0x0] =	vst.idx.add.f32.msk vm6, v13;
	(xrf2) =	vadd.scan.msk.f32 $0xffff, v8;
	(pc) =	sbr.rel @p0 .LBB2_18-.Ltmp8, $4  }
0x378: {  	vm3 =	vmor vm4, vm0;
	[tilespmem:v16+s29+$0x0] =	vst.idx.add.f32.msk vm7, v12;
	v13, _, _ =	vpop (xrf2)  }
0x379: {  	vm7 =	vmand vm9, vm1;
	v8 =	vld [tilespmem:s31+$0xFFFFFFF1]  }
0x37a: {  	vm6 =	vmand vm8, vm1;
	vm9 =	vne.s32 v11, v6;
	[tilespmem:v18+s29+$0x0] =	vst.idx.add.f32.msk vm10, v13;
	(xrf2) =	vadd.scan.msk.f32 $0xffff, v15  }
0x37b: {  	v12 =	vld [tilespmem:s31+$0xFFFFFFF0];
	vm8 =	vmor vm9, vm0;
	s31 =	sadd.s32 $0x80, s31;
	v14, _, _ =	vpop (xrf2)  }
0x37c: {  	_ =	sdelay $0x1  }
0x37d: {  	(xrf2) =	vadd.scan.msk.f32 $0xffff, v9;
	_ =	sdelay $0x1  }
0x37e: {  	vm9 =	vmand vm9, vm1;
	v56 =	vsub.f32 $0.0e+00, v14  }
0x37f: {  	[tilespmem:v10+s29+$0x0] =	vst.idx.add.f32.msk vm5, v14;
	v57 =	vsub.f32 $0.0e+00, v13;
	vm4 =	vmand vm4, vm1;
	vm13 =	vne.s32 v12, v8  }
0x380: {  	[tilespmem:v7+s29+$0x0] =	vst.idx.add.f32.msk vm7, v56;
	vm14 =	vmor vm13, vm0  }
0x381: {  	vm15 =	vmor vm2, vm0;
	v58, _, _ =	vpop (xrf2);
	[tilespmem:v4+s29+$0x0] =	vst.idx.add.f32.msk vm6, v57  }
0x382: {  	[tilespmem:v11+s29+$0x0] =	vst.idx.add.f32.msk vm8, v58;
	v59 =	vsub.f32 $0.0e+00, v58;
	v60, _, _ =	vpop (xrf2);
	vm5 =	vmand vm13, vm1  }
0x383: {  	vm2 =	vmand vm2, vm1;
	[tilespmem:v5+s29+$0x0] =	vst.idx.add.f32.msk vm3, v60;
	v61 =	vsub.f32 $0.0e+00, v60  }
0x384: {  	[tilespmem:v6+s29+$0x0] =	vst.idx.add.f32.msk vm9, v59  }
0x385: {  	v62, _, _ =	vpop (xrf2);
	[tilespmem:v3+s29+$0x0] =	vst.idx.add.f32.msk vm4, v61  }
0x386: {  	v3 =	vsub.f32 $0.0e+00, v62;
	v63, _, _ =	vpop (xrf2);
	[tilespmem:v12+s29+$0x0] =	vst.idx.add.f32.msk vm14, v62  }
0x387: {  	s0 =	sadd.s32 $0x1, s0;
	[tilespmem:v1+s29+$0x0] =	vst.idx.add.f32.msk vm15, v63;
	v1 =	vsub.f32 $0.0e+00, v63  }
0x388: {  	p0 =	sne.s32 s0, s21;
	[tilespmem:v8+s29+$0x0] =	vst.idx.add.f32.msk vm5, v3  }
.Ltmp9:
0x389: {  	s1 =	simm.s32 $0x400;
	[tilespmem:v2+s29+$0x0] =	vst.idx.add.f32.msk vm2, v1;
	(pc) =	sbr.rel @p0 .LBB2_1-.Ltmp9, $4  }
0x38a: {  	[hbm4b:s20+s23] =	stream.strided.scatter [tilespmem:s29], [sflag:$0x3], $0x4000, s1, s23, $0x38;
	[tilespmem:$0xC180] =	vst v63  }
0x38b: {  	_ =	swait.ge [sflag:s22], $0x4000  }
0x38c: {  	[sflag:s22] =	ssyncset.done $0x0  }
0x38d: {  	[sflag:s22] =	ssyncadd.s32 $0xFFFFC000  }
0x38e: {  	_ =	sfence.sel $0x180000  }
0x38f: {  	[bflag:$0x0] =	sbarrier.arrive $0xFFFF  }
0x390: {  	_ =	strace $0x90000047  }
0x391: {  	s0 =	stileid.u32;
	[bflag:$0x2] =	sbarrier.arrive $0xFFFF  }
0x392: {  	p0 =	sne.s32 s0, $0x0;
	s0 =	rddreg [dreg:$0x4]  }
0x393: {  	s0 =	sadd.s32 @!p0 $0x100000, s0  }
0x394: {  	[sflag:s0] =	ssyncadd.tile.s32 @!p0 $0x1;
	_ =	shalt  }
.Lfunc_end2:
_tile_overlayer_lowered:
.L_overlay_start_2:
0x395: {  	(tag) =	ssettag $0x2  }
0x396: {  	s0 =	rddreg [dreg:$0x0];
	s2 =	stileid.u32  }
0x397: {  	s1 =	rddreg [dreg:$0x1];
	p0 =	sne.s32 s2, $0x0  }
0x398: {  	s3 =	rddreg [dreg:$0x2];
	[bflag:$0x3] =	sbarrier.arrive $0xFFFF;
	s2 =	simm.s32 @!p0 $0x1C03  }
0x399: {  	[timem:s3], [sflag:s2] =	dma.local @!p0 [hbm:s0], s1  }
0x39a: {  	s0 =	simm.s32 @!p0 $0x3  }
0x39b: {  	_ =	swait.ge @!p0 [sflag:s0], s1  }
0x39c: {  	s1 =	ssub.s32 @!p0 $0x0, s1;
	[sflag:s0] =	ssyncset.done @!p0 $0x0  }
0x39d: {  	[sflag:s0] =	ssyncadd.s32 @!p0 s1  }
0x39e: {  	[bflag:$0x3] =	sbarrier.arrive $0xFFFF  }
0x39f: {  	_ =	shalt  }

</sc_bundles>
